<compile_context>
chip_gen: v7x
topology: tpu7x:2x2x1
jax: 0.10.2.dev20260603
libtpu: 0.0.44.dev20260713+nightly
codegen_flags: <defaults>
</compile_context>

<pallas_src>
import functools

import jax
import jax.numpy as jnp
from jax import lax
from jax.experimental import pallas as pl
from jax.experimental.pallas import tpu as pltpu
from jax.experimental.pallas import tpu_sc as plsc

_V = 1000000
_D = 32
_NW = 32
_L = 16
_CHUNK = 128
_NBUF = 8
_LB = 32768
_OB = _LB * _D // 128
_GRID = (_V + _LB - 1) // _LB


def _tc_transpose(wt):
    strip = _LB // 4

    def body(x_ref, o_ref):
        x = x_ref[...]
        eye = jnp.eye(_D, dtype=jnp.float32)
        for q in range(4):
            piece = lax.dot_general(
                x[:, strip * q:strip * (q + 1)], eye,
                (((0,), (0,)), ((), ())),
                preferred_element_type=jnp.float32,
            )
            o_ref[:, _D * q:_D * (q + 1)] = piece

    return pl.pallas_call(
        body,
        grid=(_GRID,),
        in_specs=[pl.BlockSpec((_D, _LB), lambda i: (0, i))],
        out_specs=pl.BlockSpec((_OB, 128), lambda i: (i, 0)),
        out_shape=jax.ShapeDtypeStruct((_GRID * _OB, 128), jnp.float32),
    )(wt)


def _sc_gather(idx3, table, n_chunks):
    b_per_w = n_chunks * _CHUNK
    b_total = _NW * b_per_w
    n_groups = n_chunks // _NBUF

    mesh = plsc.VectorSubcoreMesh(core_axis_name="c", subcore_axis_name="s")

    @functools.partial(
        pl.kernel,
        mesh=mesh,
        out_type=jax.ShapeDtypeStruct((b_total, _D), jnp.float32),
        scratch_types=[
            pltpu.VMEM((n_chunks, _CHUNK), jnp.int32),
            pltpu.VMEM((_NBUF, _CHUNK, _D), jnp.float32),
        ] + [pltpu.SemaphoreType.DMA] * _NBUF,
        compiler_params=pltpu.CompilerParams(use_tc_tiling_on_sc=False),
    )
    def k(table_hbm, idx_hbm, out_hbm, idx_v, rows_v, *sems):
        wid = lax.axis_index("s") * 2 + lax.axis_index("c")
        base = wid * b_per_w
        pltpu.sync_copy(idx_hbm.at[wid], idx_v)

        sh = _LB.bit_length() - 3
        def remap_body(c, carry):
            for o in range(0, _CHUNK, _L):
                v = idx_v[c, pl.ds(o, _L)]
                k_ = ((v & ~(_LB - 1))
                      | ((v & (_LB // 4 - 1)) << 2)
                      | ((v & (_LB - 1)) >> sh))
                idx_v[c, pl.ds(o, _L)] = k_
            return carry

        lax.fori_loop(0, n_chunks, remap_body, 0)

        def out_slice(c):
            return out_hbm.at[pl.ds(base + c * _CHUNK, _CHUNK)]

        for b in range(_NBUF):
            pltpu.async_copy(table_hbm.at[idx_v.at[b]], rows_v.at[b], sems[b])

        def body(g, carry):
            for b in range(_NBUF):
                c = g * _NBUF + b
                pltpu.make_async_copy(
                    table_hbm.at[idx_v.at[c]], rows_v.at[b], sems[b]
                ).wait()
                pltpu.async_copy(rows_v.at[b], out_slice(c), sems[b])
                pltpu.make_async_copy(rows_v.at[b], out_slice(c), sems[b]).wait()
                pltpu.async_copy(
                    table_hbm.at[idx_v.at[c + _NBUF]], rows_v.at[b], sems[b]
                )
            return carry

        lax.fori_loop(0, n_groups - 1, body, 0)

        for b in range(_NBUF):
            c = (n_groups - 1) * _NBUF + b
            pltpu.make_async_copy(
                table_hbm.at[idx_v.at[c]], rows_v.at[b], sems[b]
            ).wait()
            pltpu.async_copy(rows_v.at[b], out_slice(c), sems[b])
        for b in range(_NBUF):
            c = (n_groups - 1) * _NBUF + b
            pltpu.make_async_copy(rows_v.at[b], out_slice(c), sems[b]).wait()

    return k(table, idx3)


def kernel(x, weight):
    batch, num_fields = x.shape
    b_total = batch * num_fields
    n_chunks = b_total // _NW // _CHUNK
    w2 = _tc_transpose(weight.T)
    table = w2.reshape(_GRID * _LB, _D)
    idx3 = x.reshape(_NW, n_chunks, _CHUNK).astype(jnp.int32)
    out = _sc_gather(idx3, table, n_chunks)
    return out.reshape(batch, num_fields, weight.shape[1])

# --- scband reference (transcript-rebuilt; emitter-appended) ---
"""Pipeline reference for scband-embedding-layer-wo-offset-57647051047178 (READ-ONLY COPY).

The authoritative reference and input builder live on the scoring server;
editing this copy changes nothing except your own understanding.
"""

import jax, jax.numpy as jnp
import numpy as np

FIELD_DIMS = 1000000
EMBED_DIM = 32
BATCH = 16384
NUM_FIELDS = 26


def _xavier_uniform(key, shape, dtype=jnp.float32):
    fan_in, fan_out = shape[0], shape[1]
    limit = float(np.sqrt(6.0 / (fan_in + fan_out)))
    return jax.random.uniform(key, shape, dtype=dtype, minval=-limit, maxval=limit)


def setup_inputs(seed: int = 0) -> dict:
    key = jax.random.key(seed)
    k_idx, k_w = jax.random.split(key)
    x = jax.random.randint(k_idx, (BATCH, NUM_FIELDS), 0, FIELD_DIMS, dtype=jnp.int64)
    weight = _xavier_uniform(k_w, (FIELD_DIMS, EMBED_DIM))
    return {"x": x, "weight": weight}


def reference(x, weight):
    # torch.nn.Embedding(field_dims, embed_dim)(x) == gather rows of weight
    return jnp.take(weight, x, axis=0)

if __name__ == "__main__":
    import jax
    _d = setup_inputs()
    print(jax.jit(kernel)(*tuple(_d.values())))

</pallas_src>

<mosaic_0001>
#map = affine_map<(d0, d1) -> (0, 0)>
#map1 = affine_map<(d0, d1) -> (0, 0, 0)>
module attributes {stable_mosaic.version = 14 : i64} {
  func.func @k(%arg0: i32, %arg1: i32, %arg2: memref<1015808x32xf32, #tpu.memory_space<hbm>>, %arg3: memref<32x104x128xi32, #tpu.memory_space<hbm>>, %arg4: memref<425984x32xf32, #tpu.memory_space<hbm>>, %arg5: memref<104x128xi32, #tpu.memory_space<vmem>>, %arg6: memref<8x128x32xf32, #tpu.memory_space<vmem>>, %arg7: memref<!tpu.dma_semaphore, #tpu.memory_space<semaphore_mem>>, %arg8: memref<!tpu.dma_semaphore, #tpu.memory_space<semaphore_mem>>, %arg9: memref<!tpu.dma_semaphore, #tpu.memory_space<semaphore_mem>>, %arg10: memref<!tpu.dma_semaphore, #tpu.memory_space<semaphore_mem>>, %arg11: memref<!tpu.dma_semaphore, #tpu.memory_space<semaphore_mem>>, %arg12: memref<!tpu.dma_semaphore, #tpu.memory_space<semaphore_mem>>, %arg13: memref<!tpu.dma_semaphore, #tpu.memory_space<semaphore_mem>>, %arg14: memref<!tpu.dma_semaphore, #tpu.memory_space<semaphore_mem>>) attributes {dimension_semantics = [#tpu.dimension_semantics<core_parallel>, #tpu.dimension_semantics<subcore_parallel>], iteration_bounds = array<i64: 2, 16>, scalar_prefetch = 0 : i64, scratch_operands = 10 : i64, tpu.core_type = #tpu.core_type<sc_vector_subcore>, window_params = [{transform_indices = #map}, {transform_indices = #map1}, {transform_indices = #map}]} {
    %mul3A = arith.constant 2 : i32
    %mul3A_0 = arith.muli %arg1, %mul3A : i32
    %add3A = arith.addi %mul3A_0, %arg0 : i32
    %mul3A_1 = arith.constant 13312 : i32
    %mul3A_2 = arith.muli %add3A, %mul3A_1 : i32
    "tpu.region"() ({
      %run_scoped3A = tpu.sem_alloc : memref<!tpu.dma_semaphore, #tpu.memory_space<semaphore_mem>>
      %dma_start3A_444 = arith.constant 0 : i32
      %dma_start3A_445 = arith.constant 0 : i32
      %dma_start3A_446 = tpu.memref_slice %arg3[%add3A, %dma_start3A_444, %dma_start3A_445] : memref<32x104x128xi32, #tpu.memory_space<hbm>> -> memref<1x104x128xi32, #tpu.memory_space<hbm>>
      %dma_start3A_447 = tpu.memref_squeeze %dma_start3A_446 : memref<1x104x128xi32, #tpu.memory_space<hbm>> -> memref<104x128xi32, #tpu.memory_space<hbm>>
      %dma_start3A_448 = arith.constant 0 : i32
      %dma_start3A_449 = arith.constant 0 : i32
      %dma_start3A_450 = tpu.memref_slice %arg3[%add3A, %dma_start3A_448, %dma_start3A_449] : memref<32x104x128xi32, #tpu.memory_space<hbm>> -> memref<1x104x128xi32, #tpu.memory_space<hbm>>
      %dma_start3A_451 = tpu.memref_squeeze %dma_start3A_450 : memref<1x104x128xi32, #tpu.memory_space<hbm>> -> memref<104x128xi32, #tpu.memory_space<hbm>>
      tpu.enqueue_dma source(%dma_start3A_451 : memref<104x128xi32, #tpu.memory_space<hbm>>) target(%arg5 : memref<104x128xi32, #tpu.memory_space<vmem>>) target_semaphore(%run_scoped3A : memref<!tpu.dma_semaphore, #tpu.memory_space<semaphore_mem>>)
      %dma_wait3A_452 = arith.constant 0 : i32
      %dma_wait3A_453 = arith.constant 0 : i32
      %dma_wait3A_454 = tpu.memref_slice %arg3[%add3A, %dma_wait3A_452, %dma_wait3A_453] : memref<32x104x128xi32, #tpu.memory_space<hbm>> -> memref<1x104x128xi32, #tpu.memory_space<hbm>>
      %dma_wait3A_455 = tpu.memref_squeeze %dma_wait3A_454 : memref<1x104x128xi32, #tpu.memory_space<hbm>> -> memref<104x128xi32, #tpu.memory_space<hbm>>
      %dma_wait3A_456 = arith.constant 0 : i32
      %dma_wait3A_457 = arith.constant 0 : i32
      %dma_wait3A_458 = tpu.memref_slice %arg3[%add3A, %dma_wait3A_456, %dma_wait3A_457] : memref<32x104x128xi32, #tpu.memory_space<hbm>> -> memref<1x104x128xi32, #tpu.memory_space<hbm>>
      %dma_wait3A_459 = tpu.memref_squeeze %dma_wait3A_458 : memref<1x104x128xi32, #tpu.memory_space<hbm>> -> memref<104x128xi32, #tpu.memory_space<hbm>>
      tpu.wait_dma2 semaphore(%run_scoped3A : memref<!tpu.dma_semaphore, #tpu.memory_space<semaphore_mem>>) src(%dma_wait3A_459 : memref<104x128xi32, #tpu.memory_space<hbm>>) dst(%arg5 : memref<104x128xi32, #tpu.memory_space<vmem>>)
      tpu.yield
    }) : () -> ()
    %scan3A = arith.constant 0 : i32
    %scan3A_3 = arith.constant 0 : i32
    %scan3A_4 = arith.constant 104 : i32
    %scan3A_5 = arith.addi %scan3A_3, %scan3A_4 : i32
    %scan3A_6 = arith.constant 1 : i32
    scf.for %scan3A_444 = %scan3A_3 to %scan3A_5 step %scan3A_6  : i32 {
      %get3A = arith.index_cast %scan3A_444 : i32 to index
      %get3A_445 = arith.constant 0 : index
      %get3A_446 = tpu.vector_load %arg5[%get3A, %get3A_445] {strides = array<i32>} : memref<104x128xi32, #tpu.memory_space<vmem>>, vector<1x16xi32>,
      %get3A_447 = vector.shape_cast %get3A_446 : vector<1x16xi32> to vector<16xi32>
      %and3A = arith.constant -32768 : i32
      %and3A_448 = vector.broadcast %and3A : i32 to vector<16xi32>
      %and3A_449 = arith.andi %get3A_447, %and3A_448 : vector<16xi32>
      %and3A_450 = arith.constant 8191 : i32
      %and3A_451 = vector.broadcast %and3A_450 : i32 to vector<16xi32>
      %and3A_452 = arith.andi %get3A_447, %and3A_451 : vector<16xi32>
      %shift_left3A = arith.constant 2 : i32
      %shift_left3A_453 = vector.broadcast %shift_left3A : i32 to vector<16xi32>
      %shift_left3A_454 = arith.shli %and3A_452, %shift_left3A_453 : vector<16xi32>
      %or3A = arith.ori %and3A_449, %shift_left3A_454 : vector<16xi32>
      %and3A_455 = arith.constant 32767 : i32
      %and3A_456 = vector.broadcast %and3A_455 : i32 to vector<16xi32>
      %and3A_457 = arith.andi %get3A_447, %and3A_456 : vector<16xi32>
      %shift_right_arithmetic3A = arith.constant 13 : i32
      %shift_right_arithmetic3A_458 = vector.broadcast %shift_right_arithmetic3A : i32 to vector<16xi32>
      %shift_right_arithmetic3A_459 = arith.shrsi %and3A_457, %shift_right_arithmetic3A_458 : vector<16xi32>
      %or3A_460 = arith.ori %or3A, %shift_right_arithmetic3A_459 : vector<16xi32>
      %swap3A = arith.index_cast %scan3A_444 : i32 to index
      %swap3A_461 = arith.constant 0 : index
      %swap3A_462 = tpu.vector_load %arg5[%swap3A, %swap3A_461] {strides = array<i32>} : memref<104x128xi32, #tpu.memory_space<vmem>>, vector<1x16xi32>,
      %swap3A_463 = vector.shape_cast %swap3A_462 : vector<1x16xi32> to vector<16xi32>
      %swap3A_464 = vector.shape_cast %or3A_460 : vector<16xi32> to vector<1x16xi32>
      tpu.vector_store %arg5[%swap3A, %swap3A_461], %swap3A_464 {strides = array<i32>} : memref<104x128xi32, #tpu.memory_space<vmem>>, vector<1x16xi32>,
      %get3A_465 = arith.index_cast %scan3A_444 : i32 to index
      %get3A_466 = arith.constant 16 : index
      %get3A_467 = tpu.vector_load %arg5[%get3A_465, %get3A_466] {strides = array<i32>} : memref<104x128xi32, #tpu.memory_space<vmem>>, vector<1x16xi32>,
      %get3A_468 = vector.shape_cast %get3A_467 : vector<1x16xi32> to vector<16xi32>
      %and3A_469 = arith.constant -32768 : i32
      %and3A_470 = vector.broadcast %and3A_469 : i32 to vector<16xi32>
      %and3A_471 = arith.andi %get3A_468, %and3A_470 : vector<16xi32>
      %and3A_472 = arith.constant 8191 : i32
      %and3A_473 = vector.broadcast %and3A_472 : i32 to vector<16xi32>
      %and3A_474 = arith.andi %get3A_468, %and3A_473 : vector<16xi32>
      %shift_left3A_475 = arith.constant 2 : i32
      %shift_left3A_476 = vector.broadcast %shift_left3A_475 : i32 to vector<16xi32>
      %shift_left3A_477 = arith.shli %and3A_474, %shift_left3A_476 : vector<16xi32>
      %or3A_478 = arith.ori %and3A_471, %shift_left3A_477 : vector<16xi32>
      %and3A_479 = arith.constant 32767 : i32
      %and3A_480 = vector.broadcast %and3A_479 : i32 to vector<16xi32>
      %and3A_481 = arith.andi %get3A_468, %and3A_480 : vector<16xi32>
      %shift_right_arithmetic3A_482 = arith.constant 13 : i32
      %shift_right_arithmetic3A_483 = vector.broadcast %shift_right_arithmetic3A_482 : i32 to vector<16xi32>
      %shift_right_arithmetic3A_484 = arith.shrsi %and3A_481, %shift_right_arithmetic3A_483 : vector<16xi32>
      %or3A_485 = arith.ori %or3A_478, %shift_right_arithmetic3A_484 : vector<16xi32>
      %swap3A_486 = arith.index_cast %scan3A_444 : i32 to index
      %swap3A_487 = arith.constant 16 : index
      %swap3A_488 = tpu.vector_load %arg5[%swap3A_486, %swap3A_487] {strides = array<i32>} : memref<104x128xi32, #tpu.memory_space<vmem>>, vector<1x16xi32>,
      %swap3A_489 = vector.shape_cast %swap3A_488 : vector<1x16xi32> to vector<16xi32>
      %swap3A_490 = vector.shape_cast %or3A_485 : vector<16xi32> to vector<1x16xi32>
      tpu.vector_store %arg5[%swap3A_486, %swap3A_487], %swap3A_490 {strides = array<i32>} : memref<104x128xi32, #tpu.memory_space<vmem>>, vector<1x16xi32>,
      %get3A_491 = arith.index_cast %scan3A_444 : i32 to index
      %get3A_492 = arith.constant 32 : index
      %get3A_493 = tpu.vector_load %arg5[%get3A_491, %get3A_492] {strides = array<i32>} : memref<104x128xi32, #tpu.memory_space<vmem>>, vector<1x16xi32>,
      %get3A_494 = vector.shape_cast %get3A_493 : vector<1x16xi32> to vector<16xi32>
      %and3A_495 = arith.constant -32768 : i32
      %and3A_496 = vector.broadcast %and3A_495 : i32 to vector<16xi32>
      %and3A_497 = arith.andi %get3A_494, %and3A_496 : vector<16xi32>
      %and3A_498 = arith.constant 8191 : i32
      %and3A_499 = vector.broadcast %and3A_498 : i32 to vector<16xi32>
      %and3A_500 = arith.andi %get3A_494, %and3A_499 : vector<16xi32>
      %shift_left3A_501 = arith.constant 2 : i32
      %shift_left3A_502 = vector.broadcast %shift_left3A_501 : i32 to vector<16xi32>
      %shift_left3A_503 = arith.shli %and3A_500, %shift_left3A_502 : vector<16xi32>
      %or3A_504 = arith.ori %and3A_497, %shift_left3A_503 : vector<16xi32>
      %and3A_505 = arith.constant 32767 : i32
      %and3A_506 = vector.broadcast %and3A_505 : i32 to vector<16xi32>
      %and3A_507 = arith.andi %get3A_494, %and3A_506 : vector<16xi32>
      %shift_right_arithmetic3A_508 = arith.constant 13 : i32
      %shift_right_arithmetic3A_509 = vector.broadcast %shift_right_arithmetic3A_508 : i32 to vector<16xi32>
      %shift_right_arithmetic3A_510 = arith.shrsi %and3A_507, %shift_right_arithmetic3A_509 : vector<16xi32>
      %or3A_511 = arith.ori %or3A_504, %shift_right_arithmetic3A_510 : vector<16xi32>
      %swap3A_512 = arith.index_cast %scan3A_444 : i32 to index
      %swap3A_513 = arith.constant 32 : index
      %swap3A_514 = tpu.vector_load %arg5[%swap3A_512, %swap3A_513] {strides = array<i32>} : memref<104x128xi32, #tpu.memory_space<vmem>>, vector<1x16xi32>,
      %swap3A_515 = vector.shape_cast %swap3A_514 : vector<1x16xi32> to vector<16xi32>
      %swap3A_516 = vector.shape_cast %or3A_511 : vector<16xi32> to vector<1x16xi32>
      tpu.vector_store %arg5[%swap3A_512, %swap3A_513], %swap3A_516 {strides = array<i32>} : memref<104x128xi32, #tpu.memory_space<vmem>>, vector<1x16xi32>,
      %get3A_517 = arith.index_cast %scan3A_444 : i32 to index
      %get3A_518 = arith.constant 48 : index
      %get3A_519 = tpu.vector_load %arg5[%get3A_517, %get3A_518] {strides = array<i32>} : memref<104x128xi32, #tpu.memory_space<vmem>>, vector<1x16xi32>,
      %get3A_520 = vector.shape_cast %get3A_519 : vector<1x16xi32> to vector<16xi32>
      %and3A_521 = arith.constant -32768 : i32
      %and3A_522 = vector.broadcast %and3A_521 : i32 to vector<16xi32>
      %and3A_523 = arith.andi %get3A_520, %and3A_522 : vector<16xi32>
      %and3A_524 = arith.constant 8191 : i32
      %and3A_525 = vector.broadcast %and3A_524 : i32 to vector<16xi32>
      %and3A_526 = arith.andi %get3A_520, %and3A_525 : vector<16xi32>
      %shift_left3A_527 = arith.constant 2 : i32
      %shift_left3A_528 = vector.broadcast %shift_left3A_527 : i32 to vector<16xi32>
      %shift_left3A_529 = arith.shli %and3A_526, %shift_left3A_528 : vector<16xi32>
      %or3A_530 = arith.ori %and3A_523, %shift_left3A_529 : vector<16xi32>
      %and3A_531 = arith.constant 32767 : i32
      %and3A_532 = vector.broadcast %and3A_531 : i32 to vector<16xi32>
      %and3A_533 = arith.andi %get3A_520, %and3A_532 : vector<16xi32>
      %shift_right_arithmetic3A_534 = arith.constant 13 : i32
      %shift_right_arithmetic3A_535 = vector.broadcast %shift_right_arithmetic3A_534 : i32 to vector<16xi32>
      %shift_right_arithmetic3A_536 = arith.shrsi %and3A_533, %shift_right_arithmetic3A_535 : vector<16xi32>
      %or3A_537 = arith.ori %or3A_530, %shift_right_arithmetic3A_536 : vector<16xi32>
      %swap3A_538 = arith.index_cast %scan3A_444 : i32 to index
      %swap3A_539 = arith.constant 48 : index
      %swap3A_540 = tpu.vector_load %arg5[%swap3A_538, %swap3A_539] {strides = array<i32>} : memref<104x128xi32, #tpu.memory_space<vmem>>, vector<1x16xi32>,
      %swap3A_541 = vector.shape_cast %swap3A_540 : vector<1x16xi32> to vector<16xi32>
      %swap3A_542 = vector.shape_cast %or3A_537 : vector<16xi32> to vector<1x16xi32>
      tpu.vector_store %arg5[%swap3A_538, %swap3A_539], %swap3A_542 {strides = array<i32>} : memref<104x128xi32, #tpu.memory_space<vmem>>, vector<1x16xi32>,
      %get3A_543 = arith.index_cast %scan3A_444 : i32 to index
      %get3A_544 = arith.constant 64 : index
      %get3A_545 = tpu.vector_load %arg5[%get3A_543, %get3A_544] {strides = array<i32>} : memref<104x128xi32, #tpu.memory_space<vmem>>, vector<1x16xi32>,
      %get3A_546 = vector.shape_cast %get3A_545 : vector<1x16xi32> to vector<16xi32>
      %and3A_547 = arith.constant -32768 : i32
      %and3A_548 = vector.broadcast %and3A_547 : i32 to vector<16xi32>
      %and3A_549 = arith.andi %get3A_546, %and3A_548 : vector<16xi32>
      %and3A_550 = arith.constant 8191 : i32
      %and3A_551 = vector.broadcast %and3A_550 : i32 to vector<16xi32>
      %and3A_552 = arith.andi %get3A_546, %and3A_551 : vector<16xi32>
      %shift_left3A_553 = arith.constant 2 : i32
      %shift_left3A_554 = vector.broadcast %shift_left3A_553 : i32 to vector<16xi32>
      %shift_left3A_555 = arith.shli %and3A_552, %shift_left3A_554 : vector<16xi32>
      %or3A_556 = arith.ori %and3A_549, %shift_left3A_555 : vector<16xi32>
      %and3A_557 = arith.constant 32767 : i32
      %and3A_558 = vector.broadcast %and3A_557 : i32 to vector<16xi32>
      %and3A_559 = arith.andi %get3A_546, %and3A_558 : vector<16xi32>
      %shift_right_arithmetic3A_560 = arith.constant 13 : i32
      %shift_right_arithmetic3A_561 = vector.broadcast %shift_right_arithmetic3A_560 : i32 to vector<16xi32>
      %shift_right_arithmetic3A_562 = arith.shrsi %and3A_559, %shift_right_arithmetic3A_561 : vector<16xi32>
      %or3A_563 = arith.ori %or3A_556, %shift_right_arithmetic3A_562 : vector<16xi32>
      %swap3A_564 = arith.index_cast %scan3A_444 : i32 to index
      %swap3A_565 = arith.constant 64 : index
      %swap3A_566 = tpu.vector_load %arg5[%swap3A_564, %swap3A_565] {strides = array<i32>} : memref<104x128xi32, #tpu.memory_space<vmem>>, vector<1x16xi32>,
      %swap3A_567 = vector.shape_cast %swap3A_566 : vector<1x16xi32> to vector<16xi32>
      %swap3A_568 = vector.shape_cast %or3A_563 : vector<16xi32> to vector<1x16xi32>
      tpu.vector_store %arg5[%swap3A_564, %swap3A_565], %swap3A_568 {strides = array<i32>} : memref<104x128xi32, #tpu.memory_space<vmem>>, vector<1x16xi32>,
      %get3A_569 = arith.index_cast %scan3A_444 : i32 to index
      %get3A_570 = arith.constant 80 : index
      %get3A_571 = tpu.vector_load %arg5[%get3A_569, %get3A_570] {strides = array<i32>} : memref<104x128xi32, #tpu.memory_space<vmem>>, vector<1x16xi32>,
      %get3A_572 = vector.shape_cast %get3A_571 : vector<1x16xi32> to vector<16xi32>
      %and3A_573 = arith.constant -32768 : i32
      %and3A_574 = vector.broadcast %and3A_573 : i32 to vector<16xi32>
      %and3A_575 = arith.andi %get3A_572, %and3A_574 : vector<16xi32>
      %and3A_576 = arith.constant 8191 : i32
      %and3A_577 = vector.broadcast %and3A_576 : i32 to vector<16xi32>
      %and3A_578 = arith.andi %get3A_572, %and3A_577 : vector<16xi32>
      %shift_left3A_579 = arith.constant 2 : i32
      %shift_left3A_580 = vector.broadcast %shift_left3A_579 : i32 to vector<16xi32>
      %shift_left3A_581 = arith.shli %and3A_578, %shift_left3A_580 : vector<16xi32>
      %or3A_582 = arith.ori %and3A_575, %shift_left3A_581 : vector<16xi32>
      %and3A_583 = arith.constant 32767 : i32
      %and3A_584 = vector.broadcast %and3A_583 : i32 to vector<16xi32>
      %and3A_585 = arith.andi %get3A_572, %and3A_584 : vector<16xi32>
      %shift_right_arithmetic3A_586 = arith.constant 13 : i32
      %shift_right_arithmetic3A_587 = vector.broadcast %shift_right_arithmetic3A_586 : i32 to vector<16xi32>
      %shift_right_arithmetic3A_588 = arith.shrsi %and3A_585, %shift_right_arithmetic3A_587 : vector<16xi32>
      %or3A_589 = arith.ori %or3A_582, %shift_right_arithmetic3A_588 : vector<16xi32>
      %swap3A_590 = arith.index_cast %scan3A_444 : i32 to index
      %swap3A_591 = arith.constant 80 : index
      %swap3A_592 = tpu.vector_load %arg5[%swap3A_590, %swap3A_591] {strides = array<i32>} : memref<104x128xi32, #tpu.memory_space<vmem>>, vector<1x16xi32>,
      %swap3A_593 = vector.shape_cast %swap3A_592 : vector<1x16xi32> to vector<16xi32>
      %swap3A_594 = vector.shape_cast %or3A_589 : vector<16xi32> to vector<1x16xi32>
      tpu.vector_store %arg5[%swap3A_590, %swap3A_591], %swap3A_594 {strides = array<i32>} : memref<104x128xi32, #tpu.memory_space<vmem>>, vector<1x16xi32>,
      %get3A_595 = arith.index_cast %scan3A_444 : i32 to index
      %get3A_596 = arith.constant 96 : index
      %get3A_597 = tpu.vector_load %arg5[%get3A_595, %get3A_596] {strides = array<i32>} : memref<104x128xi32, #tpu.memory_space<vmem>>, vector<1x16xi32>,
      %get3A_598 = vector.shape_cast %get3A_597 : vector<1x16xi32> to vector<16xi32>
      %and3A_599 = arith.constant -32768 : i32
      %and3A_600 = vector.broadcast %and3A_599 : i32 to vector<16xi32>
      %and3A_601 = arith.andi %get3A_598, %and3A_600 : vector<16xi32>
      %and3A_602 = arith.constant 8191 : i32
      %and3A_603 = vector.broadcast %and3A_602 : i32 to vector<16xi32>
      %and3A_604 = arith.andi %get3A_598, %and3A_603 : vector<16xi32>
      %shift_left3A_605 = arith.constant 2 : i32
      %shift_left3A_606 = vector.broadcast %shift_left3A_605 : i32 to vector<16xi32>
      %shift_left3A_607 = arith.shli %and3A_604, %shift_left3A_606 : vector<16xi32>
      %or3A_608 = arith.ori %and3A_601, %shift_left3A_607 : vector<16xi32>
      %and3A_609 = arith.constant 32767 : i32
      %and3A_610 = vector.broadcast %and3A_609 : i32 to vector<16xi32>
      %and3A_611 = arith.andi %get3A_598, %and3A_610 : vector<16xi32>
      %shift_right_arithmetic3A_612 = arith.constant 13 : i32
      %shift_right_arithmetic3A_613 = vector.broadcast %shift_right_arithmetic3A_612 : i32 to vector<16xi32>
      %shift_right_arithmetic3A_614 = arith.shrsi %and3A_611, %shift_right_arithmetic3A_613 : vector<16xi32>
      %or3A_615 = arith.ori %or3A_608, %shift_right_arithmetic3A_614 : vector<16xi32>
      %swap3A_616 = arith.index_cast %scan3A_444 : i32 to index
      %swap3A_617 = arith.constant 96 : index
      %swap3A_618 = tpu.vector_load %arg5[%swap3A_616, %swap3A_617] {strides = array<i32>} : memref<104x128xi32, #tpu.memory_space<vmem>>, vector<1x16xi32>,
      %swap3A_619 = vector.shape_cast %swap3A_618 : vector<1x16xi32> to vector<16xi32>
      %swap3A_620 = vector.shape_cast %or3A_615 : vector<16xi32> to vector<1x16xi32>
      tpu.vector_store %arg5[%swap3A_616, %swap3A_617], %swap3A_620 {strides = array<i32>} : memref<104x128xi32, #tpu.memory_space<vmem>>, vector<1x16xi32>,
      %get3A_621 = arith.index_cast %scan3A_444 : i32 to index
      %get3A_622 = arith.constant 112 : index
      %get3A_623 = tpu.vector_load %arg5[%get3A_621, %get3A_622] {strides = array<i32>} : memref<104x128xi32, #tpu.memory_space<vmem>>, vector<1x16xi32>,
      %get3A_624 = vector.shape_cast %get3A_623 : vector<1x16xi32> to vector<16xi32>
      %and3A_625 = arith.constant -32768 : i32
      %and3A_626 = vector.broadcast %and3A_625 : i32 to vector<16xi32>
      %and3A_627 = arith.andi %get3A_624, %and3A_626 : vector<16xi32>
      %and3A_628 = arith.constant 8191 : i32
      %and3A_629 = vector.broadcast %and3A_628 : i32 to vector<16xi32>
      %and3A_630 = arith.andi %get3A_624, %and3A_629 : vector<16xi32>
      %shift_left3A_631 = arith.constant 2 : i32
      %shift_left3A_632 = vector.broadcast %shift_left3A_631 : i32 to vector<16xi32>
      %shift_left3A_633 = arith.shli %and3A_630, %shift_left3A_632 : vector<16xi32>
      %or3A_634 = arith.ori %and3A_627, %shift_left3A_633 : vector<16xi32>
      %and3A_635 = arith.constant 32767 : i32
      %and3A_636 = vector.broadcast %and3A_635 : i32 to vector<16xi32>
      %and3A_637 = arith.andi %get3A_624, %and3A_636 : vector<16xi32>
      %shift_right_arithmetic3A_638 = arith.constant 13 : i32
      %shift_right_arithmetic3A_639 = vector.broadcast %shift_right_arithmetic3A_638 : i32 to vector<16xi32>
      %shift_right_arithmetic3A_640 = arith.shrsi %and3A_637, %shift_right_arithmetic3A_639 : vector<16xi32>
      %or3A_641 = arith.ori %or3A_634, %shift_right_arithmetic3A_640 : vector<16xi32>
      %swap3A_642 = arith.index_cast %scan3A_444 : i32 to index
      %swap3A_643 = arith.constant 112 : index
      %swap3A_644 = tpu.vector_load %arg5[%swap3A_642, %swap3A_643] {strides = array<i32>} : memref<104x128xi32, #tpu.memory_space<vmem>>, vector<1x16xi32>,
      %swap3A_645 = vector.shape_cast %swap3A_644 : vector<1x16xi32> to vector<16xi32>
      %swap3A_646 = vector.shape_cast %or3A_641 : vector<16xi32> to vector<1x16xi32>
      tpu.vector_store %arg5[%swap3A_642, %swap3A_643], %swap3A_646 {strides = array<i32>} : memref<104x128xi32, #tpu.memory_space<vmem>>, vector<1x16xi32>,
    }
    %scan3A_7 = arith.constant 104 : i32
    %dma_start3A = arith.constant 0 : i32
    %dma_start3A_8 = arith.constant 0 : i32
    %dma_start3A_9 = arith.constant 0 : i32
    %dma_start3A_10 = arith.constant 0 : i32
    %dma_start3A_11 = tpu.memref_slice %arg6[%dma_start3A_8, %dma_start3A_9, %dma_start3A_10] : memref<8x128x32xf32, #tpu.memory_space<vmem>> -> memref<1x128x32xf32, #tpu.memory_space<vmem>>
    %dma_start3A_12 = tpu.memref_squeeze %dma_start3A_11 : memref<1x128x32xf32, #tpu.memory_space<vmem>> -> memref<128x32xf32, #tpu.memory_space<vmem>>
    %dma_start3A_13 = arith.constant 0 : i32
    %dma_start3A_14 = tpu.memref_slice %arg5[%dma_start3A, %dma_start3A_13] : memref<104x128xi32, #tpu.memory_space<vmem>> -> memref<1x128xi32, #tpu.memory_space<vmem>>
    %dma_start3A_15 = tpu.memref_squeeze %dma_start3A_14 : memref<1x128xi32, #tpu.memory_space<vmem>> -> memref<128xi32, #tpu.memory_space<vmem>>
    %dma_start3A_16 = arith.constant 0 : i32
    %dma_start3A_17 = arith.constant 0 : i32
    %dma_start3A_18 = tpu.memref_slice %arg2[%dma_start3A_16, %dma_start3A_17] : memref<1015808x32xf32, #tpu.memory_space<hbm>> -> memref<1015808x32xf32, #tpu.memory_space<hbm>>
    tpu.enqueue_indirect_dma source(%dma_start3A_18 : memref<1015808x32xf32, #tpu.memory_space<hbm>>) target(%dma_start3A_12 : memref<128x32xf32, #tpu.memory_space<vmem>>) offsets(%dma_start3A_15 : memref<128xi32, #tpu.memory_space<vmem>>) semaphore(%arg7 : memref<!tpu.dma_semaphore, #tpu.memory_space<semaphore_mem>>)
    %dma_start3A_19 = arith.constant 1 : i32
    %dma_start3A_20 = arith.constant 1 : i32
    %dma_start3A_21 = arith.constant 0 : i32
    %dma_start3A_22 = arith.constant 0 : i32
    %dma_start3A_23 = tpu.memref_slice %arg6[%dma_start3A_20, %dma_start3A_21, %dma_start3A_22] : memref<8x128x32xf32, #tpu.memory_space<vmem>> -> memref<1x128x32xf32, #tpu.memory_space<vmem>>
    %dma_start3A_24 = tpu.memref_squeeze %dma_start3A_23 : memref<1x128x32xf32, #tpu.memory_space<vmem>> -> memref<128x32xf32, #tpu.memory_space<vmem>>
    %dma_start3A_25 = arith.constant 0 : i32
    %dma_start3A_26 = tpu.memref_slice %arg5[%dma_start3A_19, %dma_start3A_25] : memref<104x128xi32, #tpu.memory_space<vmem>> -> memref<1x128xi32, #tpu.memory_space<vmem>>
    %dma_start3A_27 = tpu.memref_squeeze %dma_start3A_26 : memref<1x128xi32, #tpu.memory_space<vmem>> -> memref<128xi32, #tpu.memory_space<vmem>>
    %dma_start3A_28 = arith.constant 0 : i32
    %dma_start3A_29 = arith.constant 0 : i32
    %dma_start3A_30 = tpu.memref_slice %arg2[%dma_start3A_28, %dma_start3A_29] : memref<1015808x32xf32, #tpu.memory_space<hbm>> -> memref<1015808x32xf32, #tpu.memory_space<hbm>>
    tpu.enqueue_indirect_dma source(%dma_start3A_30 : memref<1015808x32xf32, #tpu.memory_space<hbm>>) target(%dma_start3A_24 : memref<128x32xf32, #tpu.memory_space<vmem>>) offsets(%dma_start3A_27 : memref<128xi32, #tpu.memory_space<vmem>>) semaphore(%arg8 : memref<!tpu.dma_semaphore, #tpu.memory_space<semaphore_mem>>)
    %dma_start3A_31 = arith.constant 2 : i32
    %dma_start3A_32 = arith.constant 2 : i32
    %dma_start3A_33 = arith.constant 0 : i32
    %dma_start3A_34 = arith.constant 0 : i32
    %dma_start3A_35 = tpu.memref_slice %arg6[%dma_start3A_32, %dma_start3A_33, %dma_start3A_34] : memref<8x128x32xf32, #tpu.memory_space<vmem>> -> memref<1x128x32xf32, #tpu.memory_space<vmem>>
    %dma_start3A_36 = tpu.memref_squeeze %dma_start3A_35 : memref<1x128x32xf32, #tpu.memory_space<vmem>> -> memref<128x32xf32, #tpu.memory_space<vmem>>
    %dma_start3A_37 = arith.constant 0 : i32
    %dma_start3A_38 = tpu.memref_slice %arg5[%dma_start3A_31, %dma_start3A_37] : memref<104x128xi32, #tpu.memory_space<vmem>> -> memref<1x128xi32, #tpu.memory_space<vmem>>
    %dma_start3A_39 = tpu.memref_squeeze %dma_start3A_38 : memref<1x128xi32, #tpu.memory_space<vmem>> -> memref<128xi32, #tpu.memory_space<vmem>>
    %dma_start3A_40 = arith.constant 0 : i32
    %dma_start3A_41 = arith.constant 0 : i32
    %dma_start3A_42 = tpu.memref_slice %arg2[%dma_start3A_40, %dma_start3A_41] : memref<1015808x32xf32, #tpu.memory_space<hbm>> -> memref<1015808x32xf32, #tpu.memory_space<hbm>>
    tpu.enqueue_indirect_dma source(%dma_start3A_42 : memref<1015808x32xf32, #tpu.memory_space<hbm>>) target(%dma_start3A_36 : memref<128x32xf32, #tpu.memory_space<vmem>>) offsets(%dma_start3A_39 : memref<128xi32, #tpu.memory_space<vmem>>) semaphore(%arg9 : memref<!tpu.dma_semaphore, #tpu.memory_space<semaphore_mem>>)
    %dma_start3A_43 = arith.constant 3 : i32
    %dma_start3A_44 = arith.constant 3 : i32
    %dma_start3A_45 = arith.constant 0 : i32
    %dma_start3A_46 = arith.constant 0 : i32
    %dma_start3A_47 = tpu.memref_slice %arg6[%dma_start3A_44, %dma_start3A_45, %dma_start3A_46] : memref<8x128x32xf32, #tpu.memory_space<vmem>> -> memref<1x128x32xf32, #tpu.memory_space<vmem>>
    %dma_start3A_48 = tpu.memref_squeeze %dma_start3A_47 : memref<1x128x32xf32, #tpu.memory_space<vmem>> -> memref<128x32xf32, #tpu.memory_space<vmem>>
    %dma_start3A_49 = arith.constant 0 : i32
    %dma_start3A_50 = tpu.memref_slice %arg5[%dma_start3A_43, %dma_start3A_49] : memref<104x128xi32, #tpu.memory_space<vmem>> -> memref<1x128xi32, #tpu.memory_space<vmem>>
    %dma_start3A_51 = tpu.memref_squeeze %dma_start3A_50 : memref<1x128xi32, #tpu.memory_space<vmem>> -> memref<128xi32, #tpu.memory_space<vmem>>
    %dma_start3A_52 = arith.constant 0 : i32
    %dma_start3A_53 = arith.constant 0 : i32
    %dma_start3A_54 = tpu.memref_slice %arg2[%dma_start3A_52, %dma_start3A_53] : memref<1015808x32xf32, #tpu.memory_space<hbm>> -> memref<1015808x32xf32, #tpu.memory_space<hbm>>
    tpu.enqueue_indirect_dma source(%dma_start3A_54 : memref<1015808x32xf32, #tpu.memory_space<hbm>>) target(%dma_start3A_48 : memref<128x32xf32, #tpu.memory_space<vmem>>) offsets(%dma_start3A_51 : memref<128xi32, #tpu.memory_space<vmem>>) semaphore(%arg10 : memref<!tpu.dma_semaphore, #tpu.memory_space<semaphore_mem>>)
    %dma_start3A_55 = arith.constant 4 : i32
    %dma_start3A_56 = arith.constant 4 : i32
    %dma_start3A_57 = arith.constant 0 : i32
    %dma_start3A_58 = arith.constant 0 : i32
    %dma_start3A_59 = tpu.memref_slice %arg6[%dma_start3A_56, %dma_start3A_57, %dma_start3A_58] : memref<8x128x32xf32, #tpu.memory_space<vmem>> -> memref<1x128x32xf32, #tpu.memory_space<vmem>>
    %dma_start3A_60 = tpu.memref_squeeze %dma_start3A_59 : memref<1x128x32xf32, #tpu.memory_space<vmem>> -> memref<128x32xf32, #tpu.memory_space<vmem>>
    %dma_start3A_61 = arith.constant 0 : i32
    %dma_start3A_62 = tpu.memref_slice %arg5[%dma_start3A_55, %dma_start3A_61] : memref<104x128xi32, #tpu.memory_space<vmem>> -> memref<1x128xi32, #tpu.memory_space<vmem>>
    %dma_start3A_63 = tpu.memref_squeeze %dma_start3A_62 : memref<1x128xi32, #tpu.memory_space<vmem>> -> memref<128xi32, #tpu.memory_space<vmem>>
    %dma_start3A_64 = arith.constant 0 : i32
    %dma_start3A_65 = arith.constant 0 : i32
    %dma_start3A_66 = tpu.memref_slice %arg2[%dma_start3A_64, %dma_start3A_65] : memref<1015808x32xf32, #tpu.memory_space<hbm>> -> memref<1015808x32xf32, #tpu.memory_space<hbm>>
    tpu.enqueue_indirect_dma source(%dma_start3A_66 : memref<1015808x32xf32, #tpu.memory_space<hbm>>) target(%dma_start3A_60 : memref<128x32xf32, #tpu.memory_space<vmem>>) offsets(%dma_start3A_63 : memref<128xi32, #tpu.memory_space<vmem>>) semaphore(%arg11 : memref<!tpu.dma_semaphore, #tpu.memory_space<semaphore_mem>>)
    %dma_start3A_67 = arith.constant 5 : i32
    %dma_start3A_68 = arith.constant 5 : i32
    %dma_start3A_69 = arith.constant 0 : i32
    %dma_start3A_70 = arith.constant 0 : i32
    %dma_start3A_71 = tpu.memref_slice %arg6[%dma_start3A_68, %dma_start3A_69, %dma_start3A_70] : memref<8x128x32xf32, #tpu.memory_space<vmem>> -> memref<1x128x32xf32, #tpu.memory_space<vmem>>
    %dma_start3A_72 = tpu.memref_squeeze %dma_start3A_71 : memref<1x128x32xf32, #tpu.memory_space<vmem>> -> memref<128x32xf32, #tpu.memory_space<vmem>>
    %dma_start3A_73 = arith.constant 0 : i32
    %dma_start3A_74 = tpu.memref_slice %arg5[%dma_start3A_67, %dma_start3A_73] : memref<104x128xi32, #tpu.memory_space<vmem>> -> memref<1x128xi32, #tpu.memory_space<vmem>>
    %dma_start3A_75 = tpu.memref_squeeze %dma_start3A_74 : memref<1x128xi32, #tpu.memory_space<vmem>> -> memref<128xi32, #tpu.memory_space<vmem>>
    %dma_start3A_76 = arith.constant 0 : i32
    %dma_start3A_77 = arith.constant 0 : i32
    %dma_start3A_78 = tpu.memref_slice %arg2[%dma_start3A_76, %dma_start3A_77] : memref<1015808x32xf32, #tpu.memory_space<hbm>> -> memref<1015808x32xf32, #tpu.memory_space<hbm>>
    tpu.enqueue_indirect_dma source(%dma_start3A_78 : memref<1015808x32xf32, #tpu.memory_space<hbm>>) target(%dma_start3A_72 : memref<128x32xf32, #tpu.memory_space<vmem>>) offsets(%dma_start3A_75 : memref<128xi32, #tpu.memory_space<vmem>>) semaphore(%arg12 : memref<!tpu.dma_semaphore, #tpu.memory_space<semaphore_mem>>)
    %dma_start3A_79 = arith.constant 6 : i32
    %dma_start3A_80 = arith.constant 6 : i32
    %dma_start3A_81 = arith.constant 0 : i32
    %dma_start3A_82 = arith.constant 0 : i32
    %dma_start3A_83 = tpu.memref_slice %arg6[%dma_start3A_80, %dma_start3A_81, %dma_start3A_82] : memref<8x128x32xf32, #tpu.memory_space<vmem>> -> memref<1x128x32xf32, #tpu.memory_space<vmem>>
    %dma_start3A_84 = tpu.memref_squeeze %dma_start3A_83 : memref<1x128x32xf32, #tpu.memory_space<vmem>> -> memref<128x32xf32, #tpu.memory_space<vmem>>
    %dma_start3A_85 = arith.constant 0 : i32
    %dma_start3A_86 = tpu.memref_slice %arg5[%dma_start3A_79, %dma_start3A_85] : memref<104x128xi32, #tpu.memory_space<vmem>> -> memref<1x128xi32, #tpu.memory_space<vmem>>
    %dma_start3A_87 = tpu.memref_squeeze %dma_start3A_86 : memref<1x128xi32, #tpu.memory_space<vmem>> -> memref<128xi32, #tpu.memory_space<vmem>>
    %dma_start3A_88 = arith.constant 0 : i32
    %dma_start3A_89 = arith.constant 0 : i32
    %dma_start3A_90 = tpu.memref_slice %arg2[%dma_start3A_88, %dma_start3A_89] : memref<1015808x32xf32, #tpu.memory_space<hbm>> -> memref<1015808x32xf32, #tpu.memory_space<hbm>>
    tpu.enqueue_indirect_dma source(%dma_start3A_90 : memref<1015808x32xf32, #tpu.memory_space<hbm>>) target(%dma_start3A_84 : memref<128x32xf32, #tpu.memory_space<vmem>>) offsets(%dma_start3A_87 : memref<128xi32, #tpu.memory_space<vmem>>) semaphore(%arg13 : memref<!tpu.dma_semaphore, #tpu.memory_space<semaphore_mem>>)
    %dma_start3A_91 = arith.constant 7 : i32
    %dma_start3A_92 = arith.constant 7 : i32
    %dma_start3A_93 = arith.constant 0 : i32
    %dma_start3A_94 = arith.constant 0 : i32
    %dma_start3A_95 = tpu.memref_slice %arg6[%dma_start3A_92, %dma_start3A_93, %dma_start3A_94] : memref<8x128x32xf32, #tpu.memory_space<vmem>> -> memref<1x128x32xf32, #tpu.memory_space<vmem>>
    %dma_start3A_96 = tpu.memref_squeeze %dma_start3A_95 : memref<1x128x32xf32, #tpu.memory_space<vmem>> -> memref<128x32xf32, #tpu.memory_space<vmem>>
    %dma_start3A_97 = arith.constant 0 : i32
    %dma_start3A_98 = tpu.memref_slice %arg5[%dma_start3A_91, %dma_start3A_97] : memref<104x128xi32, #tpu.memory_space<vmem>> -> memref<1x128xi32, #tpu.memory_space<vmem>>
    %dma_start3A_99 = tpu.memref_squeeze %dma_start3A_98 : memref<1x128xi32, #tpu.memory_space<vmem>> -> memref<128xi32, #tpu.memory_space<vmem>>
    %dma_start3A_100 = arith.constant 0 : i32
    %dma_start3A_101 = arith.constant 0 : i32
    %dma_start3A_102 = tpu.memref_slice %arg2[%dma_start3A_100, %dma_start3A_101] : memref<1015808x32xf32, #tpu.memory_space<hbm>> -> memref<1015808x32xf32, #tpu.memory_space<hbm>>
    tpu.enqueue_indirect_dma source(%dma_start3A_102 : memref<1015808x32xf32, #tpu.memory_space<hbm>>) target(%dma_start3A_96 : memref<128x32xf32, #tpu.memory_space<vmem>>) offsets(%dma_start3A_99 : memref<128xi32, #tpu.memory_space<vmem>>) semaphore(%arg14 : memref<!tpu.dma_semaphore, #tpu.memory_space<semaphore_mem>>)
    %scan3A_103 = arith.constant 0 : i32
    %scan3A_104 = arith.constant 0 : i32
    %scan3A_105 = arith.constant 12 : i32
    %scan3A_106 = arith.addi %scan3A_104, %scan3A_105 : i32
    %scan3A_107 = arith.constant 1 : i32
    scf.for %scan3A_444 = %scan3A_104 to %scan3A_106 step %scan3A_107  : i32 {
      %mul3A_445 = arith.constant 8 : i32
      %mul3A_446 = arith.muli %scan3A_444, %mul3A_445 : i32
      %add3A_447 = arith.constant 0 : i32
      %add3A_448 = arith.addi %mul3A_446, %add3A_447 : i32
      %dma_wait3A_449 = arith.constant 0 : i32
      %dma_wait3A_450 = arith.constant 0 : i32
      %dma_wait3A_451 = arith.constant 0 : i32
      %dma_wait3A_452 = tpu.memref_slice %arg6[%dma_wait3A_449, %dma_wait3A_450, %dma_wait3A_451] : memref<8x128x32xf32, #tpu.memory_space<vmem>> -> memref<1x128x32xf32, #tpu.memory_space<vmem>>
      %dma_wait3A_453 = tpu.memref_squeeze %dma_wait3A_452 : memref<1x128x32xf32, #tpu.memory_space<vmem>> -> memref<128x32xf32, #tpu.memory_space<vmem>>
      %dma_wait3A_454 = arith.constant 0 : i32
      %dma_wait3A_455 = tpu.memref_slice %arg5[%add3A_448, %dma_wait3A_454] : memref<104x128xi32, #tpu.memory_space<vmem>> -> memref<1x128xi32, #tpu.memory_space<vmem>>
      %dma_wait3A_456 = tpu.memref_squeeze %dma_wait3A_455 : memref<1x128xi32, #tpu.memory_space<vmem>> -> memref<128xi32, #tpu.memory_space<vmem>>
      %dma_wait3A_457 = arith.constant 0 : i32
      %dma_wait3A_458 = arith.constant 0 : i32
      %dma_wait3A_459 = tpu.memref_slice %arg2[%dma_wait3A_457, %dma_wait3A_458] : memref<1015808x32xf32, #tpu.memory_space<hbm>> -> memref<1015808x32xf32, #tpu.memory_space<hbm>>
      tpu.wait_indirect_dma semaphore(%arg7 : memref<!tpu.dma_semaphore, #tpu.memory_space<semaphore_mem>>) src(%dma_wait3A_459 : memref<1015808x32xf32, #tpu.memory_space<hbm>>) dst(%dma_wait3A_453 : memref<128x32xf32, #tpu.memory_space<vmem>>)
      %mul3A_460 = arith.constant 128 : i32
      %mul3A_461 = arith.muli %add3A_448, %mul3A_460 : i32
      %add3A_462 = arith.addi %mul3A_2, %mul3A_461 : i32
      %dma_start3A_463 = arith.constant 0 : i32
      %dma_start3A_464 = arith.constant 0 : i32
      %dma_start3A_465 = arith.constant 0 : i32
      %dma_start3A_466 = tpu.memref_slice %arg6[%dma_start3A_463, %dma_start3A_464, %dma_start3A_465] : memref<8x128x32xf32, #tpu.memory_space<vmem>> -> memref<1x128x32xf32, #tpu.memory_space<vmem>>
      %dma_start3A_467 = tpu.memref_squeeze %dma_start3A_466 : memref<1x128x32xf32, #tpu.memory_space<vmem>> -> memref<128x32xf32, #tpu.memory_space<vmem>>
      %dma_start3A_468 = arith.constant 0 : i32
      %dma_start3A_469 = tpu.memref_slice %arg4[%add3A_462, %dma_start3A_468] : memref<425984x32xf32, #tpu.memory_space<hbm>> -> memref<128x32xf32, #tpu.memory_space<hbm>>
      %dma_start3A_470 = arith.constant 0 : i32
      %dma_start3A_471 = tpu.memref_slice %arg4[%add3A_462, %dma_start3A_470] : memref<425984x32xf32, #tpu.memory_space<hbm>> -> memref<128x32xf32, #tpu.memory_space<hbm>>
      %dma_start3A_472 = arith.constant 0 : i32
      %dma_start3A_473 = arith.constant 0 : i32
      %dma_start3A_474 = tpu.memref_slice %arg6[%dma_start3A_463, %dma_start3A_472, %dma_start3A_473] : memref<8x128x32xf32, #tpu.memory_space<vmem>> -> memref<1x128x32xf32, #tpu.memory_space<vmem>>
      %dma_start3A_475 = tpu.memref_squeeze %dma_start3A_474 : memref<1x128x32xf32, #tpu.memory_space<vmem>> -> memref<128x32xf32, #tpu.memory_space<vmem>>
      tpu.enqueue_dma source(%dma_start3A_475 : memref<128x32xf32, #tpu.memory_space<vmem>>) target(%dma_start3A_471 : memref<128x32xf32, #tpu.memory_space<hbm>>) target_semaphore(%arg7 : memref<!tpu.dma_semaphore, #tpu.memory_space<semaphore_mem>>)
      %mul3A_476 = arith.constant 128 : i32
      %mul3A_477 = arith.muli %add3A_448, %mul3A_476 : i32
      %add3A_478 = arith.addi %mul3A_2, %mul3A_477 : i32
      %dma_wait3A_479 = arith.constant 0 : i32
      %dma_wait3A_480 = arith.constant 0 : i32
      %dma_wait3A_481 = arith.constant 0 : i32
      %dma_wait3A_482 = tpu.memref_slice %arg6[%dma_wait3A_479, %dma_wait3A_480, %dma_wait3A_481] : memref<8x128x32xf32, #tpu.memory_space<vmem>> -> memref<1x128x32xf32, #tpu.memory_space<vmem>>
      %dma_wait3A_483 = tpu.memref_squeeze %dma_wait3A_482 : memref<1x128x32xf32, #tpu.memory_space<vmem>> -> memref<128x32xf32, #tpu.memory_space<vmem>>
      %dma_wait3A_484 = arith.constant 0 : i32
      %dma_wait3A_485 = tpu.memref_slice %arg4[%add3A_478, %dma_wait3A_484] : memref<425984x32xf32, #tpu.memory_space<hbm>> -> memref<128x32xf32, #tpu.memory_space<hbm>>
      %dma_wait3A_486 = arith.constant 0 : i32
      %dma_wait3A_487 = tpu.memref_slice %arg4[%add3A_478, %dma_wait3A_486] : memref<425984x32xf32, #tpu.memory_space<hbm>> -> memref<128x32xf32, #tpu.memory_space<hbm>>
      %dma_wait3A_488 = arith.constant 0 : i32
      %dma_wait3A_489 = arith.constant 0 : i32
      %dma_wait3A_490 = tpu.memref_slice %arg6[%dma_wait3A_479, %dma_wait3A_488, %dma_wait3A_489] : memref<8x128x32xf32, #tpu.memory_space<vmem>> -> memref<1x128x32xf32, #tpu.memory_space<vmem>>
      %dma_wait3A_491 = tpu.memref_squeeze %dma_wait3A_490 : memref<1x128x32xf32, #tpu.memory_space<vmem>> -> memref<128x32xf32, #tpu.memory_space<vmem>>
      tpu.wait_dma2 semaphore(%arg7 : memref<!tpu.dma_semaphore, #tpu.memory_space<semaphore_mem>>) src(%dma_wait3A_491 : memref<128x32xf32, #tpu.memory_space<vmem>>) dst(%dma_wait3A_487 : memref<128x32xf32, #tpu.memory_space<hbm>>)
      %add3A_492 = arith.constant 8 : i32
      %add3A_493 = arith.addi %add3A_448, %add3A_492 : i32
      %dma_start3A_494 = arith.constant 0 : i32
      %dma_start3A_495 = arith.constant 0 : i32
      %dma_start3A_496 = arith.constant 0 : i32
      %dma_start3A_497 = tpu.memref_slice %arg6[%dma_start3A_494, %dma_start3A_495, %dma_start3A_496] : memref<8x128x32xf32, #tpu.memory_space<vmem>> -> memref<1x128x32xf32, #tpu.memory_space<vmem>>
      %dma_start3A_498 = tpu.memref_squeeze %dma_start3A_497 : memref<1x128x32xf32, #tpu.memory_space<vmem>> -> memref<128x32xf32, #tpu.memory_space<vmem>>
      %dma_start3A_499 = arith.constant 0 : i32
      %dma_start3A_500 = tpu.memref_slice %arg5[%add3A_493, %dma_start3A_499] : memref<104x128xi32, #tpu.memory_space<vmem>> -> memref<1x128xi32, #tpu.memory_space<vmem>>
      %dma_start3A_501 = tpu.memref_squeeze %dma_start3A_500 : memref<1x128xi32, #tpu.memory_space<vmem>> -> memref<128xi32, #tpu.memory_space<vmem>>
      %dma_start3A_502 = arith.constant 0 : i32
      %dma_start3A_503 = arith.constant 0 : i32
      %dma_start3A_504 = tpu.memref_slice %arg2[%dma_start3A_502, %dma_start3A_503] : memref<1015808x32xf32, #tpu.memory_space<hbm>> -> memref<1015808x32xf32, #tpu.memory_space<hbm>>
      tpu.enqueue_indirect_dma source(%dma_start3A_504 : memref<1015808x32xf32, #tpu.memory_space<hbm>>) target(%dma_start3A_498 : memref<128x32xf32, #tpu.memory_space<vmem>>) offsets(%dma_start3A_501 : memref<128xi32, #tpu.memory_space<vmem>>) semaphore(%arg7 : memref<!tpu.dma_semaphore, #tpu.memory_space<semaphore_mem>>)
      %mul3A_505 = arith.constant 8 : i32
      %mul3A_506 = arith.muli %scan3A_444, %mul3A_505 : i32
      %add3A_507 = arith.constant 1 : i32
      %add3A_508 = arith.addi %mul3A_506, %add3A_507 : i32
      %dma_wait3A_509 = arith.constant 1 : i32
      %dma_wait3A_510 = arith.constant 0 : i32
      %dma_wait3A_511 = arith.constant 0 : i32
      %dma_wait3A_512 = tpu.memref_slice %arg6[%dma_wait3A_509, %dma_wait3A_510, %dma_wait3A_511] : memref<8x128x32xf32, #tpu.memory_space<vmem>> -> memref<1x128x32xf32, #tpu.memory_space<vmem>>
      %dma_wait3A_513 = tpu.memref_squeeze %dma_wait3A_512 : memref<1x128x32xf32, #tpu.memory_space<vmem>> -> memref<128x32xf32, #tpu.memory_space<vmem>>
      %dma_wait3A_514 = arith.constant 0 : i32
      %dma_wait3A_515 = tpu.memref_slice %arg5[%add3A_508, %dma_wait3A_514] : memref<104x128xi32, #tpu.memory_space<vmem>> -> memref<1x128xi32, #tpu.memory_space<vmem>>
      %dma_wait3A_516 = tpu.memref_squeeze %dma_wait3A_515 : memref<1x128xi32, #tpu.memory_space<vmem>> -> memref<128xi32, #tpu.memory_space<vmem>>
      %dma_wait3A_517 = arith.constant 0 : i32
      %dma_wait3A_518 = arith.constant 0 : i32
      %dma_wait3A_519 = tpu.memref_slice %arg2[%dma_wait3A_517, %dma_wait3A_518] : memref<1015808x32xf32, #tpu.memory_space<hbm>> -> memref<1015808x32xf32, #tpu.memory_space<hbm>>
      tpu.wait_indirect_dma semaphore(%arg8 : memref<!tpu.dma_semaphore, #tpu.memory_space<semaphore_mem>>) src(%dma_wait3A_519 : memref<1015808x32xf32, #tpu.memory_space<hbm>>) dst(%dma_wait3A_513 : memref<128x32xf32, #tpu.memory_space<vmem>>)
      %mul3A_520 = arith.constant 128 : i32
      %mul3A_521 = arith.muli %add3A_508, %mul3A_520 : i32
      %add3A_522 = arith.addi %mul3A_2, %mul3A_521 : i32
      %dma_start3A_523 = arith.constant 1 : i32
      %dma_start3A_524 = arith.constant 0 : i32
      %dma_start3A_525 = arith.constant 0 : i32
      %dma_start3A_526 = tpu.memref_slice %arg6[%dma_start3A_523, %dma_start3A_524, %dma_start3A_525] : memref<8x128x32xf32, #tpu.memory_space<vmem>> -> memref<1x128x32xf32, #tpu.memory_space<vmem>>
      %dma_start3A_527 = tpu.memref_squeeze %dma_start3A_526 : memref<1x128x32xf32, #tpu.memory_space<vmem>> -> memref<128x32xf32, #tpu.memory_space<vmem>>
      %dma_start3A_528 = arith.constant 0 : i32
      %dma_start3A_529 = tpu.memref_slice %arg4[%add3A_522, %dma_start3A_528] : memref<425984x32xf32, #tpu.memory_space<hbm>> -> memref<128x32xf32, #tpu.memory_space<hbm>>
      %dma_start3A_530 = arith.constant 0 : i32
      %dma_start3A_531 = tpu.memref_slice %arg4[%add3A_522, %dma_start3A_530] : memref<425984x32xf32, #tpu.memory_space<hbm>> -> memref<128x32xf32, #tpu.memory_space<hbm>>
      %dma_start3A_532 = arith.constant 0 : i32
      %dma_start3A_533 = arith.constant 0 : i32
      %dma_start3A_534 = tpu.memref_slice %arg6[%dma_start3A_523, %dma_start3A_532, %dma_start3A_533] : memref<8x128x32xf32, #tpu.memory_space<vmem>> -> memref<1x128x32xf32, #tpu.memory_space<vmem>>
      %dma_start3A_535 = tpu.memref_squeeze %dma_start3A_534 : memref<1x128x32xf32, #tpu.memory_space<vmem>> -> memref<128x32xf32, #tpu.memory_space<vmem>>
      tpu.enqueue_dma source(%dma_start3A_535 : memref<128x32xf32, #tpu.memory_space<vmem>>) target(%dma_start3A_531 : memref<128x32xf32, #tpu.memory_space<hbm>>) target_semaphore(%arg8 : memref<!tpu.dma_semaphore, #tpu.memory_space<semaphore_mem>>)
      %mul3A_536 = arith.constant 128 : i32
      %mul3A_537 = arith.muli %add3A_508, %mul3A_536 : i32
      %add3A_538 = arith.addi %mul3A_2, %mul3A_537 : i32
      %dma_wait3A_539 = arith.constant 1 : i32
      %dma_wait3A_540 = arith.constant 0 : i32
      %dma_wait3A_541 = arith.constant 0 : i32
      %dma_wait3A_542 = tpu.memref_slice %arg6[%dma_wait3A_539, %dma_wait3A_540, %dma_wait3A_541] : memref<8x128x32xf32, #tpu.memory_space<vmem>> -> memref<1x128x32xf32, #tpu.memory_space<vmem>>
      %dma_wait3A_543 = tpu.memref_squeeze %dma_wait3A_542 : memref<1x128x32xf32, #tpu.memory_space<vmem>> -> memref<128x32xf32, #tpu.memory_space<vmem>>
      %dma_wait3A_544 = arith.constant 0 : i32
      %dma_wait3A_545 = tpu.memref_slice %arg4[%add3A_538, %dma_wait3A_544] : memref<425984x32xf32, #tpu.memory_space<hbm>> -> memref<128x32xf32, #tpu.memory_space<hbm>>
      %dma_wait3A_546 = arith.constant 0 : i32
      %dma_wait3A_547 = tpu.memref_slice %arg4[%add3A_538, %dma_wait3A_546] : memref<425984x32xf32, #tpu.memory_space<hbm>> -> memref<128x32xf32, #tpu.memory_space<hbm>>
      %dma_wait3A_548 = arith.constant 0 : i32
      %dma_wait3A_549 = arith.constant 0 : i32
      %dma_wait3A_550 = tpu.memref_slice %arg6[%dma_wait3A_539, %dma_wait3A_548, %dma_wait3A_549] : memref<8x128x32xf32, #tpu.memory_space<vmem>> -> memref<1x128x32xf32, #tpu.memory_space<vmem>>
      %dma_wait3A_551 = tpu.memref_squeeze %dma_wait3A_550 : memref<1x128x32xf32, #tpu.memory_space<vmem>> -> memref<128x32xf32, #tpu.memory_space<vmem>>
      tpu.wait_dma2 semaphore(%arg8 : memref<!tpu.dma_semaphore, #tpu.memory_space<semaphore_mem>>) src(%dma_wait3A_551 : memref<128x32xf32, #tpu.memory_space<vmem>>) dst(%dma_wait3A_547 : memref<128x32xf32, #tpu.memory_space<hbm>>)
      %add3A_552 = arith.constant 8 : i32
      %add3A_553 = arith.addi %add3A_508, %add3A_552 : i32
      %dma_start3A_554 = arith.constant 1 : i32
      %dma_start3A_555 = arith.constant 0 : i32
      %dma_start3A_556 = arith.constant 0 : i32
      %dma_start3A_557 = tpu.memref_slice %arg6[%dma_start3A_554, %dma_start3A_555, %dma_start3A_556] : memref<8x128x32xf32, #tpu.memory_space<vmem>> -> memref<1x128x32xf32, #tpu.memory_space<vmem>>
      %dma_start3A_558 = tpu.memref_squeeze %dma_start3A_557 : memref<1x128x32xf32, #tpu.memory_space<vmem>> -> memref<128x32xf32, #tpu.memory_space<vmem>>
      %dma_start3A_559 = arith.constant 0 : i32
      %dma_start3A_560 = tpu.memref_slice %arg5[%add3A_553, %dma_start3A_559] : memref<104x128xi32, #tpu.memory_space<vmem>> -> memref<1x128xi32, #tpu.memory_space<vmem>>
      %dma_start3A_561 = tpu.memref_squeeze %dma_start3A_560 : memref<1x128xi32, #tpu.memory_space<vmem>> -> memref<128xi32, #tpu.memory_space<vmem>>
      %dma_start3A_562 = arith.constant 0 : i32
      %dma_start3A_563 = arith.constant 0 : i32
      %dma_start3A_564 = tpu.memref_slice %arg2[%dma_start3A_562, %dma_start3A_563] : memref<1015808x32xf32, #tpu.memory_space<hbm>> -> memref<1015808x32xf32, #tpu.memory_space<hbm>>
      tpu.enqueue_indirect_dma source(%dma_start3A_564 : memref<1015808x32xf32, #tpu.memory_space<hbm>>) target(%dma_start3A_558 : memref<128x32xf32, #tpu.memory_space<vmem>>) offsets(%dma_start3A_561 : memref<128xi32, #tpu.memory_space<vmem>>) semaphore(%arg8 : memref<!tpu.dma_semaphore, #tpu.memory_space<semaphore_mem>>)
      %mul3A_565 = arith.constant 8 : i32
      %mul3A_566 = arith.muli %scan3A_444, %mul3A_565 : i32
      %add3A_567 = arith.constant 2 : i32
      %add3A_568 = arith.addi %mul3A_566, %add3A_567 : i32
      %dma_wait3A_569 = arith.constant 2 : i32
      %dma_wait3A_570 = arith.constant 0 : i32
      %dma_wait3A_571 = arith.constant 0 : i32
      %dma_wait3A_572 = tpu.memref_slice %arg6[%dma_wait3A_569, %dma_wait3A_570, %dma_wait3A_571] : memref<8x128x32xf32, #tpu.memory_space<vmem>> -> memref<1x128x32xf32, #tpu.memory_space<vmem>>
      %dma_wait3A_573 = tpu.memref_squeeze %dma_wait3A_572 : memref<1x128x32xf32, #tpu.memory_space<vmem>> -> memref<128x32xf32, #tpu.memory_space<vmem>>
      %dma_wait3A_574 = arith.constant 0 : i32
      %dma_wait3A_575 = tpu.memref_slice %arg5[%add3A_568, %dma_wait3A_574] : memref<104x128xi32, #tpu.memory_space<vmem>> -> memref<1x128xi32, #tpu.memory_space<vmem>>
      %dma_wait3A_576 = tpu.memref_squeeze %dma_wait3A_575 : memref<1x128xi32, #tpu.memory_space<vmem>> -> memref<128xi32, #tpu.memory_space<vmem>>
      %dma_wait3A_577 = arith.constant 0 : i32
      %dma_wait3A_578 = arith.constant 0 : i32
      %dma_wait3A_579 = tpu.memref_slice %arg2[%dma_wait3A_577, %dma_wait3A_578] : memref<1015808x32xf32, #tpu.memory_space<hbm>> -> memref<1015808x32xf32, #tpu.memory_space<hbm>>
      tpu.wait_indirect_dma semaphore(%arg9 : memref<!tpu.dma_semaphore, #tpu.memory_space<semaphore_mem>>) src(%dma_wait3A_579 : memref<1015808x32xf32, #tpu.memory_space<hbm>>) dst(%dma_wait3A_573 : memref<128x32xf32, #tpu.memory_space<vmem>>)
      %mul3A_580 = arith.constant 128 : i32
      %mul3A_581 = arith.muli %add3A_568, %mul3A_580 : i32
      %add3A_582 = arith.addi %mul3A_2, %mul3A_581 : i32
      %dma_start3A_583 = arith.constant 2 : i32
      %dma_start3A_584 = arith.constant 0 : i32
      %dma_start3A_585 = arith.constant 0 : i32
      %dma_start3A_586 = tpu.memref_slice %arg6[%dma_start3A_583, %dma_start3A_584, %dma_start3A_585] : memref<8x128x32xf32, #tpu.memory_space<vmem>> -> memref<1x128x32xf32, #tpu.memory_space<vmem>>
      %dma_start3A_587 = tpu.memref_squeeze %dma_start3A_586 : memref<1x128x32xf32, #tpu.memory_space<vmem>> -> memref<128x32xf32, #tpu.memory_space<vmem>>
      %dma_start3A_588 = arith.constant 0 : i32
      %dma_start3A_589 = tpu.memref_slice %arg4[%add3A_582, %dma_start3A_588] : memref<425984x32xf32, #tpu.memory_space<hbm>> -> memref<128x32xf32, #tpu.memory_space<hbm>>
      %dma_start3A_590 = arith.constant 0 : i32
      %dma_start3A_591 = tpu.memref_slice %arg4[%add3A_582, %dma_start3A_590] : memref<425984x32xf32, #tpu.memory_space<hbm>> -> memref<128x32xf32, #tpu.memory_space<hbm>>
      %dma_start3A_592 = arith.constant 0 : i32
      %dma_start3A_593 = arith.constant 0 : i32
      %dma_start3A_594 = tpu.memref_slice %arg6[%dma_start3A_583, %dma_start3A_592, %dma_start3A_593] : memref<8x128x32xf32, #tpu.memory_space<vmem>> -> memref<1x128x32xf32, #tpu.memory_space<vmem>>
      %dma_start3A_595 = tpu.memref_squeeze %dma_start3A_594 : memref<1x128x32xf32, #tpu.memory_space<vmem>> -> memref<128x32xf32, #tpu.memory_space<vmem>>
      tpu.enqueue_dma source(%dma_start3A_595 : memref<128x32xf32, #tpu.memory_space<vmem>>) target(%dma_start3A_591 : memref<128x32xf32, #tpu.memory_space<hbm>>) target_semaphore(%arg9 : memref<!tpu.dma_semaphore, #tpu.memory_space<semaphore_mem>>)
      %mul3A_596 = arith.constant 128 : i32
      %mul3A_597 = arith.muli %add3A_568, %mul3A_596 : i32
      %add3A_598 = arith.addi %mul3A_2, %mul3A_597 : i32
      %dma_wait3A_599 = arith.constant 2 : i32
      %dma_wait3A_600 = arith.constant 0 : i32
      %dma_wait3A_601 = arith.constant 0 : i32
      %dma_wait3A_602 = tpu.memref_slice %arg6[%dma_wait3A_599, %dma_wait3A_600, %dma_wait3A_601] : memref<8x128x32xf32, #tpu.memory_space<vmem>> -> memref<1x128x32xf32, #tpu.memory_space<vmem>>
      %dma_wait3A_603 = tpu.memref_squeeze %dma_wait3A_602 : memref<1x128x32xf32, #tpu.memory_space<vmem>> -> memref<128x32xf32, #tpu.memory_space<vmem>>
      %dma_wait3A_604 = arith.constant 0 : i32
      %dma_wait3A_605 = tpu.memref_slice %arg4[%add3A_598, %dma_wait3A_604] : memref<425984x32xf32, #tpu.memory_space<hbm>> -> memref<128x32xf32, #tpu.memory_space<hbm>>
      %dma_wait3A_606 = arith.constant 0 : i32
      %dma_wait3A_607 = tpu.memref_slice %arg4[%add3A_598, %dma_wait3A_606] : memref<425984x32xf32, #tpu.memory_space<hbm>> -> memref<128x32xf32, #tpu.memory_space<hbm>>
      %dma_wait3A_608 = arith.constant 0 : i32
      %dma_wait3A_609 = arith.constant 0 : i32
      %dma_wait3A_610 = tpu.memref_slice %arg6[%dma_wait3A_599, %dma_wait3A_608, %dma_wait3A_609] : memref<8x128x32xf32, #tpu.memory_space<vmem>> -> memref<1x128x32xf32, #tpu.memory_space<vmem>>
      %dma_wait3A_611 = tpu.memref_squeeze %dma_wait3A_610 : memref<1x128x32xf32, #tpu.memory_space<vmem>> -> memref<128x32xf32, #tpu.memory_space<vmem>>
      tpu.wait_dma2 semaphore(%arg9 : memref<!tpu.dma_semaphore, #tpu.memory_space<semaphore_mem>>) src(%dma_wait3A_611 : memref<128x32xf32, #tpu.memory_space<vmem>>) dst(%dma_wait3A_607 : memref<128x32xf32, #tpu.memory_space<hbm>>)
      %add3A_612 = arith.constant 8 : i32
      %add3A_613 = arith.addi %add3A_568, %add3A_612 : i32
      %dma_start3A_614 = arith.constant 2 : i32
      %dma_start3A_615 = arith.constant 0 : i32
      %dma_start3A_616 = arith.constant 0 : i32
      %dma_start3A_617 = tpu.memref_slice %arg6[%dma_start3A_614, %dma_start3A_615, %dma_start3A_616] : memref<8x128x32xf32, #tpu.memory_space<vmem>> -> memref<1x128x32xf32, #tpu.memory_space<vmem>>
      %dma_start3A_618 = tpu.memref_squeeze %dma_start3A_617 : memref<1x128x32xf32, #tpu.memory_space<vmem>> -> memref<128x32xf32, #tpu.memory_space<vmem>>
      %dma_start3A_619 = arith.constant 0 : i32
      %dma_start3A_620 = tpu.memref_slice %arg5[%add3A_613, %dma_start3A_619] : memref<104x128xi32, #tpu.memory_space<vmem>> -> memref<1x128xi32, #tpu.memory_space<vmem>>
      %dma_start3A_621 = tpu.memref_squeeze %dma_start3A_620 : memref<1x128xi32, #tpu.memory_space<vmem>> -> memref<128xi32, #tpu.memory_space<vmem>>
      %dma_start3A_622 = arith.constant 0 : i32
      %dma_start3A_623 = arith.constant 0 : i32
      %dma_start3A_624 = tpu.memref_slice %arg2[%dma_start3A_622, %dma_start3A_623] : memref<1015808x32xf32, #tpu.memory_space<hbm>> -> memref<1015808x32xf32, #tpu.memory_space<hbm>>
      tpu.enqueue_indirect_dma source(%dma_start3A_624 : memref<1015808x32xf32, #tpu.memory_space<hbm>>) target(%dma_start3A_618 : memref<128x32xf32, #tpu.memory_space<vmem>>) offsets(%dma_start3A_621 : memref<128xi32, #tpu.memory_space<vmem>>) semaphore(%arg9 : memref<!tpu.dma_semaphore, #tpu.memory_space<semaphore_mem>>)
      %mul3A_625 = arith.constant 8 : i32
      %mul3A_626 = arith.muli %scan3A_444, %mul3A_625 : i32
      %add3A_627 = arith.constant 3 : i32
      %add3A_628 = arith.addi %mul3A_626, %add3A_627 : i32
      %dma_wait3A_629 = arith.constant 3 : i32
      %dma_wait3A_630 = arith.constant 0 : i32
      %dma_wait3A_631 = arith.constant 0 : i32
      %dma_wait3A_632 = tpu.memref_slice %arg6[%dma_wait3A_629, %dma_wait3A_630, %dma_wait3A_631] : memref<8x128x32xf32, #tpu.memory_space<vmem>> -> memref<1x128x32xf32, #tpu.memory_space<vmem>>
      %dma_wait3A_633 = tpu.memref_squeeze %dma_wait3A_632 : memref<1x128x32xf32, #tpu.memory_space<vmem>> -> memref<128x32xf32, #tpu.memory_space<vmem>>
      %dma_wait3A_634 = arith.constant 0 : i32
      %dma_wait3A_635 = tpu.memref_slice %arg5[%add3A_628, %dma_wait3A_634] : memref<104x128xi32, #tpu.memory_space<vmem>> -> memref<1x128xi32, #tpu.memory_space<vmem>>
      %dma_wait3A_636 = tpu.memref_squeeze %dma_wait3A_635 : memref<1x128xi32, #tpu.memory_space<vmem>> -> memref<128xi32, #tpu.memory_space<vmem>>
      %dma_wait3A_637 = arith.constant 0 : i32
      %dma_wait3A_638 = arith.constant 0 : i32
      %dma_wait3A_639 = tpu.memref_slice %arg2[%dma_wait3A_637, %dma_wait3A_638] : memref<1015808x32xf32, #tpu.memory_space<hbm>> -> memref<1015808x32xf32, #tpu.memory_space<hbm>>
      tpu.wait_indirect_dma semaphore(%arg10 : memref<!tpu.dma_semaphore, #tpu.memory_space<semaphore_mem>>) src(%dma_wait3A_639 : memref<1015808x32xf32, #tpu.memory_space<hbm>>) dst(%dma_wait3A_633 : memref<128x32xf32, #tpu.memory_space<vmem>>)
      %mul3A_640 = arith.constant 128 : i32
      %mul3A_641 = arith.muli %add3A_628, %mul3A_640 : i32
      %add3A_642 = arith.addi %mul3A_2, %mul3A_641 : i32
      %dma_start3A_643 = arith.constant 3 : i32
      %dma_start3A_644 = arith.constant 0 : i32
      %dma_start3A_645 = arith.constant 0 : i32
      %dma_start3A_646 = tpu.memref_slice %arg6[%dma_start3A_643, %dma_start3A_644, %dma_start3A_645] : memref<8x128x32xf32, #tpu.memory_space<vmem>> -> memref<1x128x32xf32, #tpu.memory_space<vmem>>
      %dma_start3A_647 = tpu.memref_squeeze %dma_start3A_646 : memref<1x128x32xf32, #tpu.memory_space<vmem>> -> memref<128x32xf32, #tpu.memory_space<vmem>>
      %dma_start3A_648 = arith.constant 0 : i32
      %dma_start3A_649 = tpu.memref_slice %arg4[%add3A_642, %dma_start3A_648] : memref<425984x32xf32, #tpu.memory_space<hbm>> -> memref<128x32xf32, #tpu.memory_space<hbm>>
      %dma_start3A_650 = arith.constant 0 : i32
      %dma_start3A_651 = tpu.memref_slice %arg4[%add3A_642, %dma_start3A_650] : memref<425984x32xf32, #tpu.memory_space<hbm>> -> memref<128x32xf32, #tpu.memory_space<hbm>>
      %dma_start3A_652 = arith.constant 0 : i32
      %dma_start3A_653 = arith.constant 0 : i32
      %dma_start3A_654 = tpu.memref_slice %arg6[%dma_start3A_643, %dma_start3A_652, %dma_start3A_653] : memref<8x128x32xf32, #tpu.memory_space<vmem>> -> memref<1x128x32xf32, #tpu.memory_space<vmem>>
      %dma_start3A_655 = tpu.memref_squeeze %dma_start3A_654 : memref<1x128x32xf32, #tpu.memory_space<vmem>> -> memref<128x32xf32, #tpu.memory_space<vmem>>
      tpu.enqueue_dma source(%dma_start3A_655 : memref<128x32xf32, #tpu.memory_space<vmem>>) target(%dma_start3A_651 : memref<128x32xf32, #tpu.memory_space<hbm>>) target_semaphore(%arg10 : memref<!tpu.dma_semaphore, #tpu.memory_space<semaphore_mem>>)
      %mul3A_656 = arith.constant 128 : i32
      %mul3A_657 = arith.muli %add3A_628, %mul3A_656 : i32
      %add3A_658 = arith.addi %mul3A_2, %mul3A_657 : i32
      %dma_wait3A_659 = arith.constant 3 : i32
      %dma_wait3A_660 = arith.constant 0 : i32
      %dma_wait3A_661 = arith.constant 0 : i32
      %dma_wait3A_662 = tpu.memref_slice %arg6[%dma_wait3A_659, %dma_wait3A_660, %dma_wait3A_661] : memref<8x128x32xf32, #tpu.memory_space<vmem>> -> memref<1x128x32xf32, #tpu.memory_space<vmem>>
      %dma_wait3A_663 = tpu.memref_squeeze %dma_wait3A_662 : memref<1x128x32xf32, #tpu.memory_space<vmem>> -> memref<128x32xf32, #tpu.memory_space<vmem>>
      %dma_wait3A_664 = arith.constant 0 : i32
      %dma_wait3A_665 = tpu.memref_slice %arg4[%add3A_658, %dma_wait3A_664] : memref<425984x32xf32, #tpu.memory_space<hbm>> -> memref<128x32xf32, #tpu.memory_space<hbm>>
      %dma_wait3A_666 = arith.constant 0 : i32
      %dma_wait3A_667 = tpu.memref_slice %arg4[%add3A_658, %dma_wait3A_666] : memref<425984x32xf32, #tpu.memory_space<hbm>> -> memref<128x32xf32, #tpu.memory_space<hbm>>
      %dma_wait3A_668 = arith.constant 0 : i32
      %dma_wait3A_669 = arith.constant 0 : i32
      %dma_wait3A_670 = tpu.memref_slice %arg6[%dma_wait3A_659, %dma_wait3A_668, %dma_wait3A_669] : memref<8x128x32xf32, #tpu.memory_space<vmem>> -> memref<1x128x32xf32, #tpu.memory_space<vmem>>
      %dma_wait3A_671 = tpu.memref_squeeze %dma_wait3A_670 : memref<1x128x32xf32, #tpu.memory_space<vmem>> -> memref<128x32xf32, #tpu.memory_space<vmem>>
      tpu.wait_dma2 semaphore(%arg10 : memref<!tpu.dma_semaphore, #tpu.memory_space<semaphore_mem>>) src(%dma_wait3A_671 : memref<128x32xf32, #tpu.memory_space<vmem>>) dst(%dma_wait3A_667 : memref<128x32xf32, #tpu.memory_space<hbm>>)
      %add3A_672 = arith.constant 8 : i32
      %add3A_673 = arith.addi %add3A_628, %add3A_672 : i32
      %dma_start3A_674 = arith.constant 3 : i32
      %dma_start3A_675 = arith.constant 0 : i32
      %dma_start3A_676 = arith.constant 0 : i32
      %dma_start3A_677 = tpu.memref_slice %arg6[%dma_start3A_674, %dma_start3A_675, %dma_start3A_676] : memref<8x128x32xf32, #tpu.memory_space<vmem>> -> memref<1x128x32xf32, #tpu.memory_space<vmem>>
      %dma_start3A_678 = tpu.memref_squeeze %dma_start3A_677 : memref<1x128x32xf32, #tpu.memory_space<vmem>> -> memref<128x32xf32, #tpu.memory_space<vmem>>
      %dma_start3A_679 = arith.constant 0 : i32
      %dma_start3A_680 = tpu.memref_slice %arg5[%add3A_673, %dma_start3A_679] : memref<104x128xi32, #tpu.memory_space<vmem>> -> memref<1x128xi32, #tpu.memory_space<vmem>>
      %dma_start3A_681 = tpu.memref_squeeze %dma_start3A_680 : memref<1x128xi32, #tpu.memory_space<vmem>> -> memref<128xi32, #tpu.memory_space<vmem>>
      %dma_start3A_682 = arith.constant 0 : i32
      %dma_start3A_683 = arith.constant 0 : i32
      %dma_start3A_684 = tpu.memref_slice %arg2[%dma_start3A_682, %dma_start3A_683] : memref<1015808x32xf32, #tpu.memory_space<hbm>> -> memref<1015808x32xf32, #tpu.memory_space<hbm>>
      tpu.enqueue_indirect_dma source(%dma_start3A_684 : memref<1015808x32xf32, #tpu.memory_space<hbm>>) target(%dma_start3A_678 : memref<128x32xf32, #tpu.memory_space<vmem>>) offsets(%dma_start3A_681 : memref<128xi32, #tpu.memory_space<vmem>>) semaphore(%arg10 : memref<!tpu.dma_semaphore, #tpu.memory_space<semaphore_mem>>)
      %mul3A_685 = arith.constant 8 : i32
      %mul3A_686 = arith.muli %scan3A_444, %mul3A_685 : i32
      %add3A_687 = arith.constant 4 : i32
      %add3A_688 = arith.addi %mul3A_686, %add3A_687 : i32
      %dma_wait3A_689 = arith.constant 4 : i32
      %dma_wait3A_690 = arith.constant 0 : i32
      %dma_wait3A_691 = arith.constant 0 : i32
      %dma_wait3A_692 = tpu.memref_slice %arg6[%dma_wait3A_689, %dma_wait3A_690, %dma_wait3A_691] : memref<8x128x32xf32, #tpu.memory_space<vmem>> -> memref<1x128x32xf32, #tpu.memory_space<vmem>>
      %dma_wait3A_693 = tpu.memref_squeeze %dma_wait3A_692 : memref<1x128x32xf32, #tpu.memory_space<vmem>> -> memref<128x32xf32, #tpu.memory_space<vmem>>
      %dma_wait3A_694 = arith.constant 0 : i32
      %dma_wait3A_695 = tpu.memref_slice %arg5[%add3A_688, %dma_wait3A_694] : memref<104x128xi32, #tpu.memory_space<vmem>> -> memref<1x128xi32, #tpu.memory_space<vmem>>
      %dma_wait3A_696 = tpu.memref_squeeze %dma_wait3A_695 : memref<1x128xi32, #tpu.memory_space<vmem>> -> memref<128xi32, #tpu.memory_space<vmem>>
      %dma_wait3A_697 = arith.constant 0 : i32
      %dma_wait3A_698 = arith.constant 0 : i32
      %dma_wait3A_699 = tpu.memref_slice %arg2[%dma_wait3A_697, %dma_wait3A_698] : memref<1015808x32xf32, #tpu.memory_space<hbm>> -> memref<1015808x32xf32, #tpu.memory_space<hbm>>
      tpu.wait_indirect_dma semaphore(%arg11 : memref<!tpu.dma_semaphore, #tpu.memory_space<semaphore_mem>>) src(%dma_wait3A_699 : memref<1015808x32xf32, #tpu.memory_space<hbm>>) dst(%dma_wait3A_693 : memref<128x32xf32, #tpu.memory_space<vmem>>)
      %mul3A_700 = arith.constant 128 : i32
      %mul3A_701 = arith.muli %add3A_688, %mul3A_700 : i32
      %add3A_702 = arith.addi %mul3A_2, %mul3A_701 : i32
      %dma_start3A_703 = arith.constant 4 : i32
      %dma_start3A_704 = arith.constant 0 : i32
      %dma_start3A_705 = arith.constant 0 : i32
      %dma_start3A_706 = tpu.memref_slice %arg6[%dma_start3A_703, %dma_start3A_704, %dma_start3A_705] : memref<8x128x32xf32, #tpu.memory_space<vmem>> -> memref<1x128x32xf32, #tpu.memory_space<vmem>>
      %dma_start3A_707 = tpu.memref_squeeze %dma_start3A_706 : memref<1x128x32xf32, #tpu.memory_space<vmem>> -> memref<128x32xf32, #tpu.memory_space<vmem>>
      %dma_start3A_708 = arith.constant 0 : i32
      %dma_start3A_709 = tpu.memref_slice %arg4[%add3A_702, %dma_start3A_708] : memref<425984x32xf32, #tpu.memory_space<hbm>> -> memref<128x32xf32, #tpu.memory_space<hbm>>
      %dma_start3A_710 = arith.constant 0 : i32
      %dma_start3A_711 = tpu.memref_slice %arg4[%add3A_702, %dma_start3A_710] : memref<425984x32xf32, #tpu.memory_space<hbm>> -> memref<128x32xf32, #tpu.memory_space<hbm>>
      %dma_start3A_712 = arith.constant 0 : i32
      %dma_start3A_713 = arith.constant 0 : i32
      %dma_start3A_714 = tpu.memref_slice %arg6[%dma_start3A_703, %dma_start3A_712, %dma_start3A_713] : memref<8x128x32xf32, #tpu.memory_space<vmem>> -> memref<1x128x32xf32, #tpu.memory_space<vmem>>
      %dma_start3A_715 = tpu.memref_squeeze %dma_start3A_714 : memref<1x128x32xf32, #tpu.memory_space<vmem>> -> memref<128x32xf32, #tpu.memory_space<vmem>>
      tpu.enqueue_dma source(%dma_start3A_715 : memref<128x32xf32, #tpu.memory_space<vmem>>) target(%dma_start3A_711 : memref<128x32xf32, #tpu.memory_space<hbm>>) target_semaphore(%arg11 : memref<!tpu.dma_semaphore, #tpu.memory_space<semaphore_mem>>)
      %mul3A_716 = arith.constant 128 : i32
      %mul3A_717 = arith.muli %add3A_688, %mul3A_716 : i32
      %add3A_718 = arith.addi %mul3A_2, %mul3A_717 : i32
      %dma_wait3A_719 = arith.constant 4 : i32
      %dma_wait3A_720 = arith.constant 0 : i32
      %dma_wait3A_721 = arith.constant 0 : i32
      %dma_wait3A_722 = tpu.memref_slice %arg6[%dma_wait3A_719, %dma_wait3A_720, %dma_wait3A_721] : memref<8x128x32xf32, #tpu.memory_space<vmem>> -> memref<1x128x32xf32, #tpu.memory_space<vmem>>
      %dma_wait3A_723 = tpu.memref_squeeze %dma_wait3A_722 : memref<1x128x32xf32, #tpu.memory_space<vmem>> -> memref<128x32xf32, #tpu.memory_space<vmem>>
      %dma_wait3A_724 = arith.constant 0 : i32
      %dma_wait3A_725 = tpu.memref_slice %arg4[%add3A_718, %dma_wait3A_724] : memref<425984x32xf32, #tpu.memory_space<hbm>> -> memref<128x32xf32, #tpu.memory_space<hbm>>
      %dma_wait3A_726 = arith.constant 0 : i32
      %dma_wait3A_727 = tpu.memref_slice %arg4[%add3A_718, %dma_wait3A_726] : memref<425984x32xf32, #tpu.memory_space<hbm>> -> memref<128x32xf32, #tpu.memory_space<hbm>>
      %dma_wait3A_728 = arith.constant 0 : i32
      %dma_wait3A_729 = arith.constant 0 : i32
      %dma_wait3A_730 = tpu.memref_slice %arg6[%dma_wait3A_719, %dma_wait3A_728, %dma_wait3A_729] : memref<8x128x32xf32, #tpu.memory_space<vmem>> -> memref<1x128x32xf32, #tpu.memory_space<vmem>>
      %dma_wait3A_731 = tpu.memref_squeeze %dma_wait3A_730 : memref<1x128x32xf32, #tpu.memory_space<vmem>> -> memref<128x32xf32, #tpu.memory_space<vmem>>
      tpu.wait_dma2 semaphore(%arg11 : memref<!tpu.dma_semaphore, #tpu.memory_space<semaphore_mem>>) src(%dma_wait3A_731 : memref<128x32xf32, #tpu.memory_space<vmem>>) dst(%dma_wait3A_727 : memref<128x32xf32, #tpu.memory_space<hbm>>)
      %add3A_732 = arith.constant 8 : i32
      %add3A_733 = arith.addi %add3A_688, %add3A_732 : i32
      %dma_start3A_734 = arith.constant 4 : i32
      %dma_start3A_735 = arith.constant 0 : i32
      %dma_start3A_736 = arith.constant 0 : i32
      %dma_start3A_737 = tpu.memref_slice %arg6[%dma_start3A_734, %dma_start3A_735, %dma_start3A_736] : memref<8x128x32xf32, #tpu.memory_space<vmem>> -> memref<1x128x32xf32, #tpu.memory_space<vmem>>
      %dma_start3A_738 = tpu.memref_squeeze %dma_start3A_737 : memref<1x128x32xf32, #tpu.memory_space<vmem>> -> memref<128x32xf32, #tpu.memory_space<vmem>>
      %dma_start3A_739 = arith.constant 0 : i32
      %dma_start3A_740 = tpu.memref_slice %arg5[%add3A_733, %dma_start3A_739] : memref<104x128xi32, #tpu.memory_space<vmem>> -> memref<1x128xi32, #tpu.memory_space<vmem>>
      %dma_start3A_741 = tpu.memref_squeeze %dma_start3A_740 : memref<1x128xi32, #tpu.memory_space<vmem>> -> memref<128xi32, #tpu.memory_space<vmem>>
      %dma_start3A_742 = arith.constant 0 : i32
      %dma_start3A_743 = arith.constant 0 : i32
      %dma_start3A_744 = tpu.memref_slice %arg2[%dma_start3A_742, %dma_start3A_743] : memref<1015808x32xf32, #tpu.memory_space<hbm>> -> memref<1015808x32xf32, #tpu.memory_space<hbm>>
      tpu.enqueue_indirect_dma source(%dma_start3A_744 : memref<1015808x32xf32, #tpu.memory_space<hbm>>) target(%dma_start3A_738 : memref<128x32xf32, #tpu.memory_space<vmem>>) offsets(%dma_start3A_741 : memref<128xi32, #tpu.memory_space<vmem>>) semaphore(%arg11 : memref<!tpu.dma_semaphore, #tpu.memory_space<semaphore_mem>>)
      %mul3A_745 = arith.constant 8 : i32
      %mul3A_746 = arith.muli %scan3A_444, %mul3A_745 : i32
      %add3A_747 = arith.constant 5 : i32
      %add3A_748 = arith.addi %mul3A_746, %add3A_747 : i32
      %dma_wait3A_749 = arith.constant 5 : i32
      %dma_wait3A_750 = arith.constant 0 : i32
      %dma_wait3A_751 = arith.constant 0 : i32
      %dma_wait3A_752 = tpu.memref_slice %arg6[%dma_wait3A_749, %dma_wait3A_750, %dma_wait3A_751] : memref<8x128x32xf32, #tpu.memory_space<vmem>> -> memref<1x128x32xf32, #tpu.memory_space<vmem>>
      %dma_wait3A_753 = tpu.memref_squeeze %dma_wait3A_752 : memref<1x128x32xf32, #tpu.memory_space<vmem>> -> memref<128x32xf32, #tpu.memory_space<vmem>>
      %dma_wait3A_754 = arith.constant 0 : i32
      %dma_wait3A_755 = tpu.memref_slice %arg5[%add3A_748, %dma_wait3A_754] : memref<104x128xi32, #tpu.memory_space<vmem>> -> memref<1x128xi32, #tpu.memory_space<vmem>>
      %dma_wait3A_756 = tpu.memref_squeeze %dma_wait3A_755 : memref<1x128xi32, #tpu.memory_space<vmem>> -> memref<128xi32, #tpu.memory_space<vmem>>
      %dma_wait3A_757 = arith.constant 0 : i32
      %dma_wait3A_758 = arith.constant 0 : i32
      %dma_wait3A_759 = tpu.memref_slice %arg2[%dma_wait3A_757, %dma_wait3A_758] : memref<1015808x32xf32, #tpu.memory_space<hbm>> -> memref<1015808x32xf32, #tpu.memory_space<hbm>>
      tpu.wait_indirect_dma semaphore(%arg12 : memref<!tpu.dma_semaphore, #tpu.memory_space<semaphore_mem>>) src(%dma_wait3A_759 : memref<1015808x32xf32, #tpu.memory_space<hbm>>) dst(%dma_wait3A_753 : memref<128x32xf32, #tpu.memory_space<vmem>>)
      %mul3A_760 = arith.constant 128 : i32
      %mul3A_761 = arith.muli %add3A_748, %mul3A_760 : i32
      %add3A_762 = arith.addi %mul3A_2, %mul3A_761 : i32
      %dma_start3A_763 = arith.constant 5 : i32
      %dma_start3A_764 = arith.constant 0 : i32
      %dma_start3A_765 = arith.constant 0 : i32
      %dma_start3A_766 = tpu.memref_slice %arg6[%dma_start3A_763, %dma_start3A_764, %dma_start3A_765] : memref<8x128x32xf32, #tpu.memory_space<vmem>> -> memref<1x128x32xf32, #tpu.memory_space<vmem>>
      %dma_start3A_767 = tpu.memref_squeeze %dma_start3A_766 : memref<1x128x32xf32, #tpu.memory_space<vmem>> -> memref<128x32xf32, #tpu.memory_space<vmem>>
      %dma_start3A_768 = arith.constant 0 : i32
      %dma_start3A_769 = tpu.memref_slice %arg4[%add3A_762, %dma_start3A_768] : memref<425984x32xf32, #tpu.memory_space<hbm>> -> memref<128x32xf32, #tpu.memory_space<hbm>>
      %dma_start3A_770 = arith.constant 0 : i32
      %dma_start3A_771 = tpu.memref_slice %arg4[%add3A_762, %dma_start3A_770] : memref<425984x32xf32, #tpu.memory_space<hbm>> -> memref<128x32xf32, #tpu.memory_space<hbm>>
      %dma_start3A_772 = arith.constant 0 : i32
      %dma_start3A_773 = arith.constant 0 : i32
      %dma_start3A_774 = tpu.memref_slice %arg6[%dma_start3A_763, %dma_start3A_772, %dma_start3A_773] : memref<8x128x32xf32, #tpu.memory_space<vmem>> -> memref<1x128x32xf32, #tpu.memory_space<vmem>>
      %dma_start3A_775 = tpu.memref_squeeze %dma_start3A_774 : memref<1x128x32xf32, #tpu.memory_space<vmem>> -> memref<128x32xf32, #tpu.memory_space<vmem>>
      tpu.enqueue_dma source(%dma_start3A_775 : memref<128x32xf32, #tpu.memory_space<vmem>>) target(%dma_start3A_771 : memref<128x32xf32, #tpu.memory_space<hbm>>) target_semaphore(%arg12 : memref<!tpu.dma_semaphore, #tpu.memory_space<semaphore_mem>>)
      %mul3A_776 = arith.constant 128 : i32
      %mul3A_777 = arith.muli %add3A_748, %mul3A_776 : i32
      %add3A_778 = arith.addi %mul3A_2, %mul3A_777 : i32
      %dma_wait3A_779 = arith.constant 5 : i32
      %dma_wait3A_780 = arith.constant 0 : i32
      %dma_wait3A_781 = arith.constant 0 : i32
      %dma_wait3A_782 = tpu.memref_slice %arg6[%dma_wait3A_779, %dma_wait3A_780, %dma_wait3A_781] : memref<8x128x32xf32, #tpu.memory_space<vmem>> -> memref<1x128x32xf32, #tpu.memory_space<vmem>>
      %dma_wait3A_783 = tpu.memref_squeeze %dma_wait3A_782 : memref<1x128x32xf32, #tpu.memory_space<vmem>> -> memref<128x32xf32, #tpu.memory_space<vmem>>
      %dma_wait3A_784 = arith.constant 0 : i32
      %dma_wait3A_785 = tpu.memref_slice %arg4[%add3A_778, %dma_wait3A_784] : memref<425984x32xf32, #tpu.memory_space<hbm>> -> memref<128x32xf32, #tpu.memory_space<hbm>>
      %dma_wait3A_786 = arith.constant 0 : i32
      %dma_wait3A_787 = tpu.memref_slice %arg4[%add3A_778, %dma_wait3A_786] : memref<425984x32xf32, #tpu.memory_space<hbm>> -> memref<128x32xf32, #tpu.memory_space<hbm>>
      %dma_wait3A_788 = arith.constant 0 : i32
      %dma_wait3A_789 = arith.constant 0 : i32
      %dma_wait3A_790 = tpu.memref_slice %arg6[%dma_wait3A_779, %dma_wait3A_788, %dma_wait3A_789] : memref<8x128x32xf32, #tpu.memory_space<vmem>> -> memref<1x128x32xf32, #tpu.memory_space<vmem>>
      %dma_wait3A_791 = tpu.memref_squeeze %dma_wait3A_790 : memref<1x128x32xf32, #tpu.memory_space<vmem>> -> memref<128x32xf32, #tpu.memory_space<vmem>>
      tpu.wait_dma2 semaphore(%arg12 : memref<!tpu.dma_semaphore, #tpu.memory_space<semaphore_mem>>) src(%dma_wait3A_791 : memref<128x32xf32, #tpu.memory_space<vmem>>) dst(%dma_wait3A_787 : memref<128x32xf32, #tpu.memory_space<hbm>>)
      %add3A_792 = arith.constant 8 : i32
      %add3A_793 = arith.addi %add3A_748, %add3A_792 : i32
      %dma_start3A_794 = arith.constant 5 : i32
      %dma_start3A_795 = arith.constant 0 : i32
      %dma_start3A_796 = arith.constant 0 : i32
      %dma_start3A_797 = tpu.memref_slice %arg6[%dma_start3A_794, %dma_start3A_795, %dma_start3A_796] : memref<8x128x32xf32, #tpu.memory_space<vmem>> -> memref<1x128x32xf32, #tpu.memory_space<vmem>>
      %dma_start3A_798 = tpu.memref_squeeze %dma_start3A_797 : memref<1x128x32xf32, #tpu.memory_space<vmem>> -> memref<128x32xf32, #tpu.memory_space<vmem>>
      %dma_start3A_799 = arith.constant 0 : i32
      %dma_start3A_800 = tpu.memref_slice %arg5[%add3A_793, %dma_start3A_799] : memref<104x128xi32, #tpu.memory_space<vmem>> -> memref<1x128xi32, #tpu.memory_space<vmem>>
      %dma_start3A_801 = tpu.memref_squeeze %dma_start3A_800 : memref<1x128xi32, #tpu.memory_space<vmem>> -> memref<128xi32, #tpu.memory_space<vmem>>
      %dma_start3A_802 = arith.constant 0 : i32
      %dma_start3A_803 = arith.constant 0 : i32
      %dma_start3A_804 = tpu.memref_slice %arg2[%dma_start3A_802, %dma_start3A_803] : memref<1015808x32xf32, #tpu.memory_space<hbm>> -> memref<1015808x32xf32, #tpu.memory_space<hbm>>
      tpu.enqueue_indirect_dma source(%dma_start3A_804 : memref<1015808x32xf32, #tpu.memory_space<hbm>>) target(%dma_start3A_798 : memref<128x32xf32, #tpu.memory_space<vmem>>) offsets(%dma_start3A_801 : memref<128xi32, #tpu.memory_space<vmem>>) semaphore(%arg12 : memref<!tpu.dma_semaphore, #tpu.memory_space<semaphore_mem>>)
      %mul3A_805 = arith.constant 8 : i32
      %mul3A_806 = arith.muli %scan3A_444, %mul3A_805 : i32
      %add3A_807 = arith.constant 6 : i32
      %add3A_808 = arith.addi %mul3A_806, %add3A_807 : i32
      %dma_wait3A_809 = arith.constant 6 : i32
      %dma_wait3A_810 = arith.constant 0 : i32
      %dma_wait3A_811 = arith.constant 0 : i32
      %dma_wait3A_812 = tpu.memref_slice %arg6[%dma_wait3A_809, %dma_wait3A_810, %dma_wait3A_811] : memref<8x128x32xf32, #tpu.memory_space<vmem>> -> memref<1x128x32xf32, #tpu.memory_space<vmem>>
      %dma_wait3A_813 = tpu.memref_squeeze %dma_wait3A_812 : memref<1x128x32xf32, #tpu.memory_space<vmem>> -> memref<128x32xf32, #tpu.memory_space<vmem>>
      %dma_wait3A_814 = arith.constant 0 : i32
      %dma_wait3A_815 = tpu.memref_slice %arg5[%add3A_808, %dma_wait3A_814] : memref<104x128xi32, #tpu.memory_space<vmem>> -> memref<1x128xi32, #tpu.memory_space<vmem>>
      %dma_wait3A_816 = tpu.memref_squeeze %dma_wait3A_815 : memref<1x128xi32, #tpu.memory_space<vmem>> -> memref<128xi32, #tpu.memory_space<vmem>>
      %dma_wait3A_817 = arith.constant 0 : i32
      %dma_wait3A_818 = arith.constant 0 : i32
      %dma_wait3A_819 = tpu.memref_slice %arg2[%dma_wait3A_817, %dma_wait3A_818] : memref<1015808x32xf32, #tpu.memory_space<hbm>> -> memref<1015808x32xf32, #tpu.memory_space<hbm>>
      tpu.wait_indirect_dma semaphore(%arg13 : memref<!tpu.dma_semaphore, #tpu.memory_space<semaphore_mem>>) src(%dma_wait3A_819 : memref<1015808x32xf32, #tpu.memory_space<hbm>>) dst(%dma_wait3A_813 : memref<128x32xf32, #tpu.memory_space<vmem>>)
      %mul3A_820 = arith.constant 128 : i32
      %mul3A_821 = arith.muli %add3A_808, %mul3A_820 : i32
      %add3A_822 = arith.addi %mul3A_2, %mul3A_821 : i32
      %dma_start3A_823 = arith.constant 6 : i32
      %dma_start3A_824 = arith.constant 0 : i32
      %dma_start3A_825 = arith.constant 0 : i32
      %dma_start3A_826 = tpu.memref_slice %arg6[%dma_start3A_823, %dma_start3A_824, %dma_start3A_825] : memref<8x128x32xf32, #tpu.memory_space<vmem>> -> memref<1x128x32xf32, #tpu.memory_space<vmem>>
      %dma_start3A_827 = tpu.memref_squeeze %dma_start3A_826 : memref<1x128x32xf32, #tpu.memory_space<vmem>> -> memref<128x32xf32, #tpu.memory_space<vmem>>
      %dma_start3A_828 = arith.constant 0 : i32
      %dma_start3A_829 = tpu.memref_slice %arg4[%add3A_822, %dma_start3A_828] : memref<425984x32xf32, #tpu.memory_space<hbm>> -> memref<128x32xf32, #tpu.memory_space<hbm>>
      %dma_start3A_830 = arith.constant 0 : i32
      %dma_start3A_831 = tpu.memref_slice %arg4[%add3A_822, %dma_start3A_830] : memref<425984x32xf32, #tpu.memory_space<hbm>> -> memref<128x32xf32, #tpu.memory_space<hbm>>
      %dma_start3A_832 = arith.constant 0 : i32
      %dma_start3A_833 = arith.constant 0 : i32
      %dma_start3A_834 = tpu.memref_slice %arg6[%dma_start3A_823, %dma_start3A_832, %dma_start3A_833] : memref<8x128x32xf32, #tpu.memory_space<vmem>> -> memref<1x128x32xf32, #tpu.memory_space<vmem>>
      %dma_start3A_835 = tpu.memref_squeeze %dma_start3A_834 : memref<1x128x32xf32, #tpu.memory_space<vmem>> -> memref<128x32xf32, #tpu.memory_space<vmem>>
      tpu.enqueue_dma source(%dma_start3A_835 : memref<128x32xf32, #tpu.memory_space<vmem>>) target(%dma_start3A_831 : memref<128x32xf32, #tpu.memory_space<hbm>>) target_semaphore(%arg13 : memref<!tpu.dma_semaphore, #tpu.memory_space<semaphore_mem>>)
      %mul3A_836 = arith.constant 128 : i32
      %mul3A_837 = arith.muli %add3A_808, %mul3A_836 : i32
      %add3A_838 = arith.addi %mul3A_2, %mul3A_837 : i32
      %dma_wait3A_839 = arith.constant 6 : i32
      %dma_wait3A_840 = arith.constant 0 : i32
      %dma_wait3A_841 = arith.constant 0 : i32
      %dma_wait3A_842 = tpu.memref_slice %arg6[%dma_wait3A_839, %dma_wait3A_840, %dma_wait3A_841] : memref<8x128x32xf32, #tpu.memory_space<vmem>> -> memref<1x128x32xf32, #tpu.memory_space<vmem>>
      %dma_wait3A_843 = tpu.memref_squeeze %dma_wait3A_842 : memref<1x128x32xf32, #tpu.memory_space<vmem>> -> memref<128x32xf32, #tpu.memory_space<vmem>>
      %dma_wait3A_844 = arith.constant 0 : i32
      %dma_wait3A_845 = tpu.memref_slice %arg4[%add3A_838, %dma_wait3A_844] : memref<425984x32xf32, #tpu.memory_space<hbm>> -> memref<128x32xf32, #tpu.memory_space<hbm>>
      %dma_wait3A_846 = arith.constant 0 : i32
      %dma_wait3A_847 = tpu.memref_slice %arg4[%add3A_838, %dma_wait3A_846] : memref<425984x32xf32, #tpu.memory_space<hbm>> -> memref<128x32xf32, #tpu.memory_space<hbm>>
      %dma_wait3A_848 = arith.constant 0 : i32
      %dma_wait3A_849 = arith.constant 0 : i32
      %dma_wait3A_850 = tpu.memref_slice %arg6[%dma_wait3A_839, %dma_wait3A_848, %dma_wait3A_849] : memref<8x128x32xf32, #tpu.memory_space<vmem>> -> memref<1x128x32xf32, #tpu.memory_space<vmem>>
      %dma_wait3A_851 = tpu.memref_squeeze %dma_wait3A_850 : memref<1x128x32xf32, #tpu.memory_space<vmem>> -> memref<128x32xf32, #tpu.memory_space<vmem>>
      tpu.wait_dma2 semaphore(%arg13 : memref<!tpu.dma_semaphore, #tpu.memory_space<semaphore_mem>>) src(%dma_wait3A_851 : memref<128x32xf32, #tpu.memory_space<vmem>>) dst(%dma_wait3A_847 : memref<128x32xf32, #tpu.memory_space<hbm>>)
      %add3A_852 = arith.constant 8 : i32
      %add3A_853 = arith.addi %add3A_808, %add3A_852 : i32
      %dma_start3A_854 = arith.constant 6 : i32
      %dma_start3A_855 = arith.constant 0 : i32
      %dma_start3A_856 = arith.constant 0 : i32
      %dma_start3A_857 = tpu.memref_slice %arg6[%dma_start3A_854, %dma_start3A_855, %dma_start3A_856] : memref<8x128x32xf32, #tpu.memory_space<vmem>> -> memref<1x128x32xf32, #tpu.memory_space<vmem>>
      %dma_start3A_858 = tpu.memref_squeeze %dma_start3A_857 : memref<1x128x32xf32, #tpu.memory_space<vmem>> -> memref<128x32xf32, #tpu.memory_space<vmem>>
      %dma_start3A_859 = arith.constant 0 : i32
      %dma_start3A_860 = tpu.memref_slice %arg5[%add3A_853, %dma_start3A_859] : memref<104x128xi32, #tpu.memory_space<vmem>> -> memref<1x128xi32, #tpu.memory_space<vmem>>
      %dma_start3A_861 = tpu.memref_squeeze %dma_start3A_860 : memref<1x128xi32, #tpu.memory_space<vmem>> -> memref<128xi32, #tpu.memory_space<vmem>>
      %dma_start3A_862 = arith.constant 0 : i32
      %dma_start3A_863 = arith.constant 0 : i32
      %dma_start3A_864 = tpu.memref_slice %arg2[%dma_start3A_862, %dma_start3A_863] : memref<1015808x32xf32, #tpu.memory_space<hbm>> -> memref<1015808x32xf32, #tpu.memory_space<hbm>>
      tpu.enqueue_indirect_dma source(%dma_start3A_864 : memref<1015808x32xf32, #tpu.memory_space<hbm>>) target(%dma_start3A_858 : memref<128x32xf32, #tpu.memory_space<vmem>>) offsets(%dma_start3A_861 : memref<128xi32, #tpu.memory_space<vmem>>) semaphore(%arg13 : memref<!tpu.dma_semaphore, #tpu.memory_space<semaphore_mem>>)
      %mul3A_865 = arith.constant 8 : i32
      %mul3A_866 = arith.muli %scan3A_444, %mul3A_865 : i32
      %add3A_867 = arith.constant 7 : i32
      %add3A_868 = arith.addi %mul3A_866, %add3A_867 : i32
      %dma_wait3A_869 = arith.constant 7 : i32
      %dma_wait3A_870 = arith.constant 0 : i32
      %dma_wait3A_871 = arith.constant 0 : i32
      %dma_wait3A_872 = tpu.memref_slice %arg6[%dma_wait3A_869, %dma_wait3A_870, %dma_wait3A_871] : memref<8x128x32xf32, #tpu.memory_space<vmem>> -> memref<1x128x32xf32, #tpu.memory_space<vmem>>
      %dma_wait3A_873 = tpu.memref_squeeze %dma_wait3A_872 : memref<1x128x32xf32, #tpu.memory_space<vmem>> -> memref<128x32xf32, #tpu.memory_space<vmem>>
      %dma_wait3A_874 = arith.constant 0 : i32
      %dma_wait3A_875 = tpu.memref_slice %arg5[%add3A_868, %dma_wait3A_874] : memref<104x128xi32, #tpu.memory_space<vmem>> -> memref<1x128xi32, #tpu.memory_space<vmem>>
      %dma_wait3A_876 = tpu.memref_squeeze %dma_wait3A_875 : memref<1x128xi32, #tpu.memory_space<vmem>> -> memref<128xi32, #tpu.memory_space<vmem>>
      %dma_wait3A_877 = arith.constant 0 : i32
      %dma_wait3A_878 = arith.constant 0 : i32
      %dma_wait3A_879 = tpu.memref_slice %arg2[%dma_wait3A_877, %dma_wait3A_878] : memref<1015808x32xf32, #tpu.memory_space<hbm>> -> memref<1015808x32xf32, #tpu.memory_space<hbm>>
      tpu.wait_indirect_dma semaphore(%arg14 : memref<!tpu.dma_semaphore, #tpu.memory_space<semaphore_mem>>) src(%dma_wait3A_879 : memref<1015808x32xf32, #tpu.memory_space<hbm>>) dst(%dma_wait3A_873 : memref<128x32xf32, #tpu.memory_space<vmem>>)
      %mul3A_880 = arith.constant 128 : i32
      %mul3A_881 = arith.muli %add3A_868, %mul3A_880 : i32
      %add3A_882 = arith.addi %mul3A_2, %mul3A_881 : i32
      %dma_start3A_883 = arith.constant 7 : i32
      %dma_start3A_884 = arith.constant 0 : i32
      %dma_start3A_885 = arith.constant 0 : i32
      %dma_start3A_886 = tpu.memref_slice %arg6[%dma_start3A_883, %dma_start3A_884, %dma_start3A_885] : memref<8x128x32xf32, #tpu.memory_space<vmem>> -> memref<1x128x32xf32, #tpu.memory_space<vmem>>
      %dma_start3A_887 = tpu.memref_squeeze %dma_start3A_886 : memref<1x128x32xf32, #tpu.memory_space<vmem>> -> memref<128x32xf32, #tpu.memory_space<vmem>>
      %dma_start3A_888 = arith.constant 0 : i32
      %dma_start3A_889 = tpu.memref_slice %arg4[%add3A_882, %dma_start3A_888] : memref<425984x32xf32, #tpu.memory_space<hbm>> -> memref<128x32xf32, #tpu.memory_space<hbm>>
      %dma_start3A_890 = arith.constant 0 : i32
      %dma_start3A_891 = tpu.memref_slice %arg4[%add3A_882, %dma_start3A_890] : memref<425984x32xf32, #tpu.memory_space<hbm>> -> memref<128x32xf32, #tpu.memory_space<hbm>>
      %dma_start3A_892 = arith.constant 0 : i32
      %dma_start3A_893 = arith.constant 0 : i32
      %dma_start3A_894 = tpu.memref_slice %arg6[%dma_start3A_883, %dma_start3A_892, %dma_start3A_893] : memref<8x128x32xf32, #tpu.memory_space<vmem>> -> memref<1x128x32xf32, #tpu.memory_space<vmem>>
      %dma_start3A_895 = tpu.memref_squeeze %dma_start3A_894 : memref<1x128x32xf32, #tpu.memory_space<vmem>> -> memref<128x32xf32, #tpu.memory_space<vmem>>
      tpu.enqueue_dma source(%dma_start3A_895 : memref<128x32xf32, #tpu.memory_space<vmem>>) target(%dma_start3A_891 : memref<128x32xf32, #tpu.memory_space<hbm>>) target_semaphore(%arg14 : memref<!tpu.dma_semaphore, #tpu.memory_space<semaphore_mem>>)
      %mul3A_896 = arith.constant 128 : i32
      %mul3A_897 = arith.muli %add3A_868, %mul3A_896 : i32
      %add3A_898 = arith.addi %mul3A_2, %mul3A_897 : i32
      %dma_wait3A_899 = arith.constant 7 : i32
      %dma_wait3A_900 = arith.constant 0 : i32
      %dma_wait3A_901 = arith.constant 0 : i32
      %dma_wait3A_902 = tpu.memref_slice %arg6[%dma_wait3A_899, %dma_wait3A_900, %dma_wait3A_901] : memref<8x128x32xf32, #tpu.memory_space<vmem>> -> memref<1x128x32xf32, #tpu.memory_space<vmem>>
      %dma_wait3A_903 = tpu.memref_squeeze %dma_wait3A_902 : memref<1x128x32xf32, #tpu.memory_space<vmem>> -> memref<128x32xf32, #tpu.memory_space<vmem>>
      %dma_wait3A_904 = arith.constant 0 : i32
      %dma_wait3A_905 = tpu.memref_slice %arg4[%add3A_898, %dma_wait3A_904] : memref<425984x32xf32, #tpu.memory_space<hbm>> -> memref<128x32xf32, #tpu.memory_space<hbm>>
      %dma_wait3A_906 = arith.constant 0 : i32
      %dma_wait3A_907 = tpu.memref_slice %arg4[%add3A_898, %dma_wait3A_906] : memref<425984x32xf32, #tpu.memory_space<hbm>> -> memref<128x32xf32, #tpu.memory_space<hbm>>
      %dma_wait3A_908 = arith.constant 0 : i32
      %dma_wait3A_909 = arith.constant 0 : i32
      %dma_wait3A_910 = tpu.memref_slice %arg6[%dma_wait3A_899, %dma_wait3A_908, %dma_wait3A_909] : memref<8x128x32xf32, #tpu.memory_space<vmem>> -> memref<1x128x32xf32, #tpu.memory_space<vmem>>
      %dma_wait3A_911 = tpu.memref_squeeze %dma_wait3A_910 : memref<1x128x32xf32, #tpu.memory_space<vmem>> -> memref<128x32xf32, #tpu.memory_space<vmem>>
      tpu.wait_dma2 semaphore(%arg14 : memref<!tpu.dma_semaphore, #tpu.memory_space<semaphore_mem>>) src(%dma_wait3A_911 : memref<128x32xf32, #tpu.memory_space<vmem>>) dst(%dma_wait3A_907 : memref<128x32xf32, #tpu.memory_space<hbm>>)
      %add3A_912 = arith.constant 8 : i32
      %add3A_913 = arith.addi %add3A_868, %add3A_912 : i32
      %dma_start3A_914 = arith.constant 7 : i32
      %dma_start3A_915 = arith.constant 0 : i32
      %dma_start3A_916 = arith.constant 0 : i32
      %dma_start3A_917 = tpu.memref_slice %arg6[%dma_start3A_914, %dma_start3A_915, %dma_start3A_916] : memref<8x128x32xf32, #tpu.memory_space<vmem>> -> memref<1x128x32xf32, #tpu.memory_space<vmem>>
      %dma_start3A_918 = tpu.memref_squeeze %dma_start3A_917 : memref<1x128x32xf32, #tpu.memory_space<vmem>> -> memref<128x32xf32, #tpu.memory_space<vmem>>
      %dma_start3A_919 = arith.constant 0 : i32
      %dma_start3A_920 = tpu.memref_slice %arg5[%add3A_913, %dma_start3A_919] : memref<104x128xi32, #tpu.memory_space<vmem>> -> memref<1x128xi32, #tpu.memory_space<vmem>>
      %dma_start3A_921 = tpu.memref_squeeze %dma_start3A_920 : memref<1x128xi32, #tpu.memory_space<vmem>> -> memref<128xi32, #tpu.memory_space<vmem>>
      %dma_start3A_922 = arith.constant 0 : i32
      %dma_start3A_923 = arith.constant 0 : i32
      %dma_start3A_924 = tpu.memref_slice %arg2[%dma_start3A_922, %dma_start3A_923] : memref<1015808x32xf32, #tpu.memory_space<hbm>> -> memref<1015808x32xf32, #tpu.memory_space<hbm>>
      tpu.enqueue_indirect_dma source(%dma_start3A_924 : memref<1015808x32xf32, #tpu.memory_space<hbm>>) target(%dma_start3A_918 : memref<128x32xf32, #tpu.memory_space<vmem>>) offsets(%dma_start3A_921 : memref<128xi32, #tpu.memory_space<vmem>>) semaphore(%arg14 : memref<!tpu.dma_semaphore, #tpu.memory_space<semaphore_mem>>)
    }
    %scan3A_108 = arith.constant 12 : i32
    %dma_wait3A = arith.constant 96 : i32
    %dma_wait3A_109 = arith.constant 0 : i32
    %dma_wait3A_110 = arith.constant 0 : i32
    %dma_wait3A_111 = arith.constant 0 : i32
    %dma_wait3A_112 = tpu.memref_slice %arg6[%dma_wait3A_109, %dma_wait3A_110, %dma_wait3A_111] : memref<8x128x32xf32, #tpu.memory_space<vmem>> -> memref<1x128x32xf32, #tpu.memory_space<vmem>>
    %dma_wait3A_113 = tpu.memref_squeeze %dma_wait3A_112 : memref<1x128x32xf32, #tpu.memory_space<vmem>> -> memref<128x32xf32, #tpu.memory_space<vmem>>
    %dma_wait3A_114 = arith.constant 0 : i32
    %dma_wait3A_115 = tpu.memref_slice %arg5[%dma_wait3A, %dma_wait3A_114] : memref<104x128xi32, #tpu.memory_space<vmem>> -> memref<1x128xi32, #tpu.memory_space<vmem>>
    %dma_wait3A_116 = tpu.memref_squeeze %dma_wait3A_115 : memref<1x128xi32, #tpu.memory_space<vmem>> -> memref<128xi32, #tpu.memory_space<vmem>>
    %dma_wait3A_117 = arith.constant 0 : i32
    %dma_wait3A_118 = arith.constant 0 : i32
    %dma_wait3A_119 = tpu.memref_slice %arg2[%dma_wait3A_117, %dma_wait3A_118] : memref<1015808x32xf32, #tpu.memory_space<hbm>> -> memref<1015808x32xf32, #tpu.memory_space<hbm>>
    tpu.wait_indirect_dma semaphore(%arg7 : memref<!tpu.dma_semaphore, #tpu.memory_space<semaphore_mem>>) src(%dma_wait3A_119 : memref<1015808x32xf32, #tpu.memory_space<hbm>>) dst(%dma_wait3A_113 : memref<128x32xf32, #tpu.memory_space<vmem>>)
    %add3A_120 = arith.constant 12288 : i32
    %add3A_121 = arith.addi %mul3A_2, %add3A_120 : i32
    %dma_start3A_122 = arith.constant 0 : i32
    %dma_start3A_123 = arith.constant 0 : i32
    %dma_start3A_124 = arith.constant 0 : i32
    %dma_start3A_125 = tpu.memref_slice %arg6[%dma_start3A_122, %dma_start3A_123, %dma_start3A_124] : memref<8x128x32xf32, #tpu.memory_space<vmem>> -> memref<1x128x32xf32, #tpu.memory_space<vmem>>
    %dma_start3A_126 = tpu.memref_squeeze %dma_start3A_125 : memref<1x128x32xf32, #tpu.memory_space<vmem>> -> memref<128x32xf32, #tpu.memory_space<vmem>>
    %dma_start3A_127 = arith.constant 0 : i32
    %dma_start3A_128 = tpu.memref_slice %arg4[%add3A_121, %dma_start3A_127] : memref<425984x32xf32, #tpu.memory_space<hbm>> -> memref<128x32xf32, #tpu.memory_space<hbm>>
    %dma_start3A_129 = arith.constant 0 : i32
    %dma_start3A_130 = tpu.memref_slice %arg4[%add3A_121, %dma_start3A_129] : memref<425984x32xf32, #tpu.memory_space<hbm>> -> memref<128x32xf32, #tpu.memory_space<hbm>>
    %dma_start3A_131 = arith.constant 0 : i32
    %dma_start3A_132 = arith.constant 0 : i32
    %dma_start3A_133 = tpu.memref_slice %arg6[%dma_start3A_122, %dma_start3A_131, %dma_start3A_132] : memref<8x128x32xf32, #tpu.memory_space<vmem>> -> memref<1x128x32xf32, #tpu.memory_space<vmem>>
    %dma_start3A_134 = tpu.memref_squeeze %dma_start3A_133 : memref<1x128x32xf32, #tpu.memory_space<vmem>> -> memref<128x32xf32, #tpu.memory_space<vmem>>
    tpu.enqueue_dma source(%dma_start3A_134 : memref<128x32xf32, #tpu.memory_space<vmem>>) target(%dma_start3A_130 : memref<128x32xf32, #tpu.memory_space<hbm>>) target_semaphore(%arg7 : memref<!tpu.dma_semaphore, #tpu.memory_space<semaphore_mem>>)
    %dma_wait3A_135 = arith.constant 97 : i32
    %dma_wait3A_136 = arith.constant 1 : i32
    %dma_wait3A_137 = arith.constant 0 : i32
    %dma_wait3A_138 = arith.constant 0 : i32
    %dma_wait3A_139 = tpu.memref_slice %arg6[%dma_wait3A_136, %dma_wait3A_137, %dma_wait3A_138] : memref<8x128x32xf32, #tpu.memory_space<vmem>> -> memref<1x128x32xf32, #tpu.memory_space<vmem>>
    %dma_wait3A_140 = tpu.memref_squeeze %dma_wait3A_139 : memref<1x128x32xf32, #tpu.memory_space<vmem>> -> memref<128x32xf32, #tpu.memory_space<vmem>>
    %dma_wait3A_141 = arith.constant 0 : i32
    %dma_wait3A_142 = tpu.memref_slice %arg5[%dma_wait3A_135, %dma_wait3A_141] : memref<104x128xi32, #tpu.memory_space<vmem>> -> memref<1x128xi32, #tpu.memory_space<vmem>>
    %dma_wait3A_143 = tpu.memref_squeeze %dma_wait3A_142 : memref<1x128xi32, #tpu.memory_space<vmem>> -> memref<128xi32, #tpu.memory_space<vmem>>
    %dma_wait3A_144 = arith.constant 0 : i32
    %dma_wait3A_145 = arith.constant 0 : i32
    %dma_wait3A_146 = tpu.memref_slice %arg2[%dma_wait3A_144, %dma_wait3A_145] : memref<1015808x32xf32, #tpu.memory_space<hbm>> -> memref<1015808x32xf32, #tpu.memory_space<hbm>>
    tpu.wait_indirect_dma semaphore(%arg8 : memref<!tpu.dma_semaphore, #tpu.memory_space<semaphore_mem>>) src(%dma_wait3A_146 : memref<1015808x32xf32, #tpu.memory_space<hbm>>) dst(%dma_wait3A_140 : memref<128x32xf32, #tpu.memory_space<vmem>>)
    %add3A_147 = arith.constant 12416 : i32
    %add3A_148 = arith.addi %mul3A_2, %add3A_147 : i32
    %dma_start3A_149 = arith.constant 1 : i32
    %dma_start3A_150 = arith.constant 0 : i32
    %dma_start3A_151 = arith.constant 0 : i32
    %dma_start3A_152 = tpu.memref_slice %arg6[%dma_start3A_149, %dma_start3A_150, %dma_start3A_151] : memref<8x128x32xf32, #tpu.memory_space<vmem>> -> memref<1x128x32xf32, #tpu.memory_space<vmem>>
    %dma_start3A_153 = tpu.memref_squeeze %dma_start3A_152 : memref<1x128x32xf32, #tpu.memory_space<vmem>> -> memref<128x32xf32, #tpu.memory_space<vmem>>
    %dma_start3A_154 = arith.constant 0 : i32
    %dma_start3A_155 = tpu.memref_slice %arg4[%add3A_148, %dma_start3A_154] : memref<425984x32xf32, #tpu.memory_space<hbm>> -> memref<128x32xf32, #tpu.memory_space<hbm>>
    %dma_start3A_156 = arith.constant 0 : i32
    %dma_start3A_157 = tpu.memref_slice %arg4[%add3A_148, %dma_start3A_156] : memref<425984x32xf32, #tpu.memory_space<hbm>> -> memref<128x32xf32, #tpu.memory_space<hbm>>
    %dma_start3A_158 = arith.constant 0 : i32
    %dma_start3A_159 = arith.constant 0 : i32
    %dma_start3A_160 = tpu.memref_slice %arg6[%dma_start3A_149, %dma_start3A_158, %dma_start3A_159] : memref<8x128x32xf32, #tpu.memory_space<vmem>> -> memref<1x128x32xf32, #tpu.memory_space<vmem>>
    %dma_start3A_161 = tpu.memref_squeeze %dma_start3A_160 : memref<1x128x32xf32, #tpu.memory_space<vmem>> -> memref<128x32xf32, #tpu.memory_space<vmem>>
    tpu.enqueue_dma source(%dma_start3A_161 : memref<128x32xf32, #tpu.memory_space<vmem>>) target(%dma_start3A_157 : memref<128x32xf32, #tpu.memory_space<hbm>>) target_semaphore(%arg8 : memref<!tpu.dma_semaphore, #tpu.memory_space<semaphore_mem>>)
    %dma_wait3A_162 = arith.constant 98 : i32
    %dma_wait3A_163 = arith.constant 2 : i32
    %dma_wait3A_164 = arith.constant 0 : i32
    %dma_wait3A_165 = arith.constant 0 : i32
    %dma_wait3A_166 = tpu.memref_slice %arg6[%dma_wait3A_163, %dma_wait3A_164, %dma_wait3A_165] : memref<8x128x32xf32, #tpu.memory_space<vmem>> -> memref<1x128x32xf32, #tpu.memory_space<vmem>>
    %dma_wait3A_167 = tpu.memref_squeeze %dma_wait3A_166 : memref<1x128x32xf32, #tpu.memory_space<vmem>> -> memref<128x32xf32, #tpu.memory_space<vmem>>
    %dma_wait3A_168 = arith.constant 0 : i32
    %dma_wait3A_169 = tpu.memref_slice %arg5[%dma_wait3A_162, %dma_wait3A_168] : memref<104x128xi32, #tpu.memory_space<vmem>> -> memref<1x128xi32, #tpu.memory_space<vmem>>
    %dma_wait3A_170 = tpu.memref_squeeze %dma_wait3A_169 : memref<1x128xi32, #tpu.memory_space<vmem>> -> memref<128xi32, #tpu.memory_space<vmem>>
    %dma_wait3A_171 = arith.constant 0 : i32
    %dma_wait3A_172 = arith.constant 0 : i32
    %dma_wait3A_173 = tpu.memref_slice %arg2[%dma_wait3A_171, %dma_wait3A_172] : memref<1015808x32xf32, #tpu.memory_space<hbm>> -> memref<1015808x32xf32, #tpu.memory_space<hbm>>
    tpu.wait_indirect_dma semaphore(%arg9 : memref<!tpu.dma_semaphore, #tpu.memory_space<semaphore_mem>>) src(%dma_wait3A_173 : memref<1015808x32xf32, #tpu.memory_space<hbm>>) dst(%dma_wait3A_167 : memref<128x32xf32, #tpu.memory_space<vmem>>)
    %add3A_174 = arith.constant 12544 : i32
    %add3A_175 = arith.addi %mul3A_2, %add3A_174 : i32
    %dma_start3A_176 = arith.constant 2 : i32
    %dma_start3A_177 = arith.constant 0 : i32
    %dma_start3A_178 = arith.constant 0 : i32
    %dma_start3A_179 = tpu.memref_slice %arg6[%dma_start3A_176, %dma_start3A_177, %dma_start3A_178] : memref<8x128x32xf32, #tpu.memory_space<vmem>> -> memref<1x128x32xf32, #tpu.memory_space<vmem>>
    %dma_start3A_180 = tpu.memref_squeeze %dma_start3A_179 : memref<1x128x32xf32, #tpu.memory_space<vmem>> -> memref<128x32xf32, #tpu.memory_space<vmem>>
    %dma_start3A_181 = arith.constant 0 : i32
    %dma_start3A_182 = tpu.memref_slice %arg4[%add3A_175, %dma_start3A_181] : memref<425984x32xf32, #tpu.memory_space<hbm>> -> memref<128x32xf32, #tpu.memory_space<hbm>>
    %dma_start3A_183 = arith.constant 0 : i32
    %dma_start3A_184 = tpu.memref_slice %arg4[%add3A_175, %dma_start3A_183] : memref<425984x32xf32, #tpu.memory_space<hbm>> -> memref<128x32xf32, #tpu.memory_space<hbm>>
    %dma_start3A_185 = arith.constant 0 : i32
    %dma_start3A_186 = arith.constant 0 : i32
    %dma_start3A_187 = tpu.memref_slice %arg6[%dma_start3A_176, %dma_start3A_185, %dma_start3A_186] : memref<8x128x32xf32, #tpu.memory_space<vmem>> -> memref<1x128x32xf32, #tpu.memory_space<vmem>>
    %dma_start3A_188 = tpu.memref_squeeze %dma_start3A_187 : memref<1x128x32xf32, #tpu.memory_space<vmem>> -> memref<128x32xf32, #tpu.memory_space<vmem>>
    tpu.enqueue_dma source(%dma_start3A_188 : memref<128x32xf32, #tpu.memory_space<vmem>>) target(%dma_start3A_184 : memref<128x32xf32, #tpu.memory_space<hbm>>) target_semaphore(%arg9 : memref<!tpu.dma_semaphore, #tpu.memory_space<semaphore_mem>>)
    %dma_wait3A_189 = arith.constant 99 : i32
    %dma_wait3A_190 = arith.constant 3 : i32
    %dma_wait3A_191 = arith.constant 0 : i32
    %dma_wait3A_192 = arith.constant 0 : i32
    %dma_wait3A_193 = tpu.memref_slice %arg6[%dma_wait3A_190, %dma_wait3A_191, %dma_wait3A_192] : memref<8x128x32xf32, #tpu.memory_space<vmem>> -> memref<1x128x32xf32, #tpu.memory_space<vmem>>
    %dma_wait3A_194 = tpu.memref_squeeze %dma_wait3A_193 : memref<1x128x32xf32, #tpu.memory_space<vmem>> -> memref<128x32xf32, #tpu.memory_space<vmem>>
    %dma_wait3A_195 = arith.constant 0 : i32
    %dma_wait3A_196 = tpu.memref_slice %arg5[%dma_wait3A_189, %dma_wait3A_195] : memref<104x128xi32, #tpu.memory_space<vmem>> -> memref<1x128xi32, #tpu.memory_space<vmem>>
    %dma_wait3A_197 = tpu.memref_squeeze %dma_wait3A_196 : memref<1x128xi32, #tpu.memory_space<vmem>> -> memref<128xi32, #tpu.memory_space<vmem>>
    %dma_wait3A_198 = arith.constant 0 : i32
    %dma_wait3A_199 = arith.constant 0 : i32
    %dma_wait3A_200 = tpu.memref_slice %arg2[%dma_wait3A_198, %dma_wait3A_199] : memref<1015808x32xf32, #tpu.memory_space<hbm>> -> memref<1015808x32xf32, #tpu.memory_space<hbm>>
    tpu.wait_indirect_dma semaphore(%arg10 : memref<!tpu.dma_semaphore, #tpu.memory_space<semaphore_mem>>) src(%dma_wait3A_200 : memref<1015808x32xf32, #tpu.memory_space<hbm>>) dst(%dma_wait3A_194 : memref<128x32xf32, #tpu.memory_space<vmem>>)
    %add3A_201 = arith.constant 12672 : i32
    %add3A_202 = arith.addi %mul3A_2, %add3A_201 : i32
    %dma_start3A_203 = arith.constant 3 : i32
    %dma_start3A_204 = arith.constant 0 : i32
    %dma_start3A_205 = arith.constant 0 : i32
    %dma_start3A_206 = tpu.memref_slice %arg6[%dma_start3A_203, %dma_start3A_204, %dma_start3A_205] : memref<8x128x32xf32, #tpu.memory_space<vmem>> -> memref<1x128x32xf32, #tpu.memory_space<vmem>>
    %dma_start3A_207 = tpu.memref_squeeze %dma_start3A_206 : memref<1x128x32xf32, #tpu.memory_space<vmem>> -> memref<128x32xf32, #tpu.memory_space<vmem>>
    %dma_start3A_208 = arith.constant 0 : i32
    %dma_start3A_209 = tpu.memref_slice %arg4[%add3A_202, %dma_start3A_208] : memref<425984x32xf32, #tpu.memory_space<hbm>> -> memref<128x32xf32, #tpu.memory_space<hbm>>
    %dma_start3A_210 = arith.constant 0 : i32
    %dma_start3A_211 = tpu.memref_slice %arg4[%add3A_202, %dma_start3A_210] : memref<425984x32xf32, #tpu.memory_space<hbm>> -> memref<128x32xf32, #tpu.memory_space<hbm>>
    %dma_start3A_212 = arith.constant 0 : i32
    %dma_start3A_213 = arith.constant 0 : i32
    %dma_start3A_214 = tpu.memref_slice %arg6[%dma_start3A_203, %dma_start3A_212, %dma_start3A_213] : memref<8x128x32xf32, #tpu.memory_space<vmem>> -> memref<1x128x32xf32, #tpu.memory_space<vmem>>
    %dma_start3A_215 = tpu.memref_squeeze %dma_start3A_214 : memref<1x128x32xf32, #tpu.memory_space<vmem>> -> memref<128x32xf32, #tpu.memory_space<vmem>>
    tpu.enqueue_dma source(%dma_start3A_215 : memref<128x32xf32, #tpu.memory_space<vmem>>) target(%dma_start3A_211 : memref<128x32xf32, #tpu.memory_space<hbm>>) target_semaphore(%arg10 : memref<!tpu.dma_semaphore, #tpu.memory_space<semaphore_mem>>)
    %dma_wait3A_216 = arith.constant 100 : i32
    %dma_wait3A_217 = arith.constant 4 : i32
    %dma_wait3A_218 = arith.constant 0 : i32
    %dma_wait3A_219 = arith.constant 0 : i32
    %dma_wait3A_220 = tpu.memref_slice %arg6[%dma_wait3A_217, %dma_wait3A_218, %dma_wait3A_219] : memref<8x128x32xf32, #tpu.memory_space<vmem>> -> memref<1x128x32xf32, #tpu.memory_space<vmem>>
    %dma_wait3A_221 = tpu.memref_squeeze %dma_wait3A_220 : memref<1x128x32xf32, #tpu.memory_space<vmem>> -> memref<128x32xf32, #tpu.memory_space<vmem>>
    %dma_wait3A_222 = arith.constant 0 : i32
    %dma_wait3A_223 = tpu.memref_slice %arg5[%dma_wait3A_216, %dma_wait3A_222] : memref<104x128xi32, #tpu.memory_space<vmem>> -> memref<1x128xi32, #tpu.memory_space<vmem>>
    %dma_wait3A_224 = tpu.memref_squeeze %dma_wait3A_223 : memref<1x128xi32, #tpu.memory_space<vmem>> -> memref<128xi32, #tpu.memory_space<vmem>>
    %dma_wait3A_225 = arith.constant 0 : i32
    %dma_wait3A_226 = arith.constant 0 : i32
    %dma_wait3A_227 = tpu.memref_slice %arg2[%dma_wait3A_225, %dma_wait3A_226] : memref<1015808x32xf32, #tpu.memory_space<hbm>> -> memref<1015808x32xf32, #tpu.memory_space<hbm>>
    tpu.wait_indirect_dma semaphore(%arg11 : memref<!tpu.dma_semaphore, #tpu.memory_space<semaphore_mem>>) src(%dma_wait3A_227 : memref<1015808x32xf32, #tpu.memory_space<hbm>>) dst(%dma_wait3A_221 : memref<128x32xf32, #tpu.memory_space<vmem>>)
    %add3A_228 = arith.constant 12800 : i32
    %add3A_229 = arith.addi %mul3A_2, %add3A_228 : i32
    %dma_start3A_230 = arith.constant 4 : i32
    %dma_start3A_231 = arith.constant 0 : i32
    %dma_start3A_232 = arith.constant 0 : i32
    %dma_start3A_233 = tpu.memref_slice %arg6[%dma_start3A_230, %dma_start3A_231, %dma_start3A_232] : memref<8x128x32xf32, #tpu.memory_space<vmem>> -> memref<1x128x32xf32, #tpu.memory_space<vmem>>
    %dma_start3A_234 = tpu.memref_squeeze %dma_start3A_233 : memref<1x128x32xf32, #tpu.memory_space<vmem>> -> memref<128x32xf32, #tpu.memory_space<vmem>>
    %dma_start3A_235 = arith.constant 0 : i32
    %dma_start3A_236 = tpu.memref_slice %arg4[%add3A_229, %dma_start3A_235] : memref<425984x32xf32, #tpu.memory_space<hbm>> -> memref<128x32xf32, #tpu.memory_space<hbm>>
    %dma_start3A_237 = arith.constant 0 : i32
    %dma_start3A_238 = tpu.memref_slice %arg4[%add3A_229, %dma_start3A_237] : memref<425984x32xf32, #tpu.memory_space<hbm>> -> memref<128x32xf32, #tpu.memory_space<hbm>>
    %dma_start3A_239 = arith.constant 0 : i32
    %dma_start3A_240 = arith.constant 0 : i32
    %dma_start3A_241 = tpu.memref_slice %arg6[%dma_start3A_230, %dma_start3A_239, %dma_start3A_240] : memref<8x128x32xf32, #tpu.memory_space<vmem>> -> memref<1x128x32xf32, #tpu.memory_space<vmem>>
    %dma_start3A_242 = tpu.memref_squeeze %dma_start3A_241 : memref<1x128x32xf32, #tpu.memory_space<vmem>> -> memref<128x32xf32, #tpu.memory_space<vmem>>
    tpu.enqueue_dma source(%dma_start3A_242 : memref<128x32xf32, #tpu.memory_space<vmem>>) target(%dma_start3A_238 : memref<128x32xf32, #tpu.memory_space<hbm>>) target_semaphore(%arg11 : memref<!tpu.dma_semaphore, #tpu.memory_space<semaphore_mem>>)
    %dma_wait3A_243 = arith.constant 101 : i32
    %dma_wait3A_244 = arith.constant 5 : i32
    %dma_wait3A_245 = arith.constant 0 : i32
    %dma_wait3A_246 = arith.constant 0 : i32
    %dma_wait3A_247 = tpu.memref_slice %arg6[%dma_wait3A_244, %dma_wait3A_245, %dma_wait3A_246] : memref<8x128x32xf32, #tpu.memory_space<vmem>> -> memref<1x128x32xf32, #tpu.memory_space<vmem>>
    %dma_wait3A_248 = tpu.memref_squeeze %dma_wait3A_247 : memref<1x128x32xf32, #tpu.memory_space<vmem>> -> memref<128x32xf32, #tpu.memory_space<vmem>>
    %dma_wait3A_249 = arith.constant 0 : i32
    %dma_wait3A_250 = tpu.memref_slice %arg5[%dma_wait3A_243, %dma_wait3A_249] : memref<104x128xi32, #tpu.memory_space<vmem>> -> memref<1x128xi32, #tpu.memory_space<vmem>>
    %dma_wait3A_251 = tpu.memref_squeeze %dma_wait3A_250 : memref<1x128xi32, #tpu.memory_space<vmem>> -> memref<128xi32, #tpu.memory_space<vmem>>
    %dma_wait3A_252 = arith.constant 0 : i32
    %dma_wait3A_253 = arith.constant 0 : i32
    %dma_wait3A_254 = tpu.memref_slice %arg2[%dma_wait3A_252, %dma_wait3A_253] : memref<1015808x32xf32, #tpu.memory_space<hbm>> -> memref<1015808x32xf32, #tpu.memory_space<hbm>>
    tpu.wait_indirect_dma semaphore(%arg12 : memref<!tpu.dma_semaphore, #tpu.memory_space<semaphore_mem>>) src(%dma_wait3A_254 : memref<1015808x32xf32, #tpu.memory_space<hbm>>) dst(%dma_wait3A_248 : memref<128x32xf32, #tpu.memory_space<vmem>>)
    %add3A_255 = arith.constant 12928 : i32
    %add3A_256 = arith.addi %mul3A_2, %add3A_255 : i32
    %dma_start3A_257 = arith.constant 5 : i32
    %dma_start3A_258 = arith.constant 0 : i32
    %dma_start3A_259 = arith.constant 0 : i32
    %dma_start3A_260 = tpu.memref_slice %arg6[%dma_start3A_257, %dma_start3A_258, %dma_start3A_259] : memref<8x128x32xf32, #tpu.memory_space<vmem>> -> memref<1x128x32xf32, #tpu.memory_space<vmem>>
    %dma_start3A_261 = tpu.memref_squeeze %dma_start3A_260 : memref<1x128x32xf32, #tpu.memory_space<vmem>> -> memref<128x32xf32, #tpu.memory_space<vmem>>
    %dma_start3A_262 = arith.constant 0 : i32
    %dma_start3A_263 = tpu.memref_slice %arg4[%add3A_256, %dma_start3A_262] : memref<425984x32xf32, #tpu.memory_space<hbm>> -> memref<128x32xf32, #tpu.memory_space<hbm>>
    %dma_start3A_264 = arith.constant 0 : i32
    %dma_start3A_265 = tpu.memref_slice %arg4[%add3A_256, %dma_start3A_264] : memref<425984x32xf32, #tpu.memory_space<hbm>> -> memref<128x32xf32, #tpu.memory_space<hbm>>
    %dma_start3A_266 = arith.constant 0 : i32
    %dma_start3A_267 = arith.constant 0 : i32
    %dma_start3A_268 = tpu.memref_slice %arg6[%dma_start3A_257, %dma_start3A_266, %dma_start3A_267] : memref<8x128x32xf32, #tpu.memory_space<vmem>> -> memref<1x128x32xf32, #tpu.memory_space<vmem>>
    %dma_start3A_269 = tpu.memref_squeeze %dma_start3A_268 : memref<1x128x32xf32, #tpu.memory_space<vmem>> -> memref<128x32xf32, #tpu.memory_space<vmem>>
    tpu.enqueue_dma source(%dma_start3A_269 : memref<128x32xf32, #tpu.memory_space<vmem>>) target(%dma_start3A_265 : memref<128x32xf32, #tpu.memory_space<hbm>>) target_semaphore(%arg12 : memref<!tpu.dma_semaphore, #tpu.memory_space<semaphore_mem>>)
    %dma_wait3A_270 = arith.constant 102 : i32
    %dma_wait3A_271 = arith.constant 6 : i32
    %dma_wait3A_272 = arith.constant 0 : i32
    %dma_wait3A_273 = arith.constant 0 : i32
    %dma_wait3A_274 = tpu.memref_slice %arg6[%dma_wait3A_271, %dma_wait3A_272, %dma_wait3A_273] : memref<8x128x32xf32, #tpu.memory_space<vmem>> -> memref<1x128x32xf32, #tpu.memory_space<vmem>>
    %dma_wait3A_275 = tpu.memref_squeeze %dma_wait3A_274 : memref<1x128x32xf32, #tpu.memory_space<vmem>> -> memref<128x32xf32, #tpu.memory_space<vmem>>
    %dma_wait3A_276 = arith.constant 0 : i32
    %dma_wait3A_277 = tpu.memref_slice %arg5[%dma_wait3A_270, %dma_wait3A_276] : memref<104x128xi32, #tpu.memory_space<vmem>> -> memref<1x128xi32, #tpu.memory_space<vmem>>
    %dma_wait3A_278 = tpu.memref_squeeze %dma_wait3A_277 : memref<1x128xi32, #tpu.memory_space<vmem>> -> memref<128xi32, #tpu.memory_space<vmem>>
    %dma_wait3A_279 = arith.constant 0 : i32
    %dma_wait3A_280 = arith.constant 0 : i32
    %dma_wait3A_281 = tpu.memref_slice %arg2[%dma_wait3A_279, %dma_wait3A_280] : memref<1015808x32xf32, #tpu.memory_space<hbm>> -> memref<1015808x32xf32, #tpu.memory_space<hbm>>
    tpu.wait_indirect_dma semaphore(%arg13 : memref<!tpu.dma_semaphore, #tpu.memory_space<semaphore_mem>>) src(%dma_wait3A_281 : memref<1015808x32xf32, #tpu.memory_space<hbm>>) dst(%dma_wait3A_275 : memref<128x32xf32, #tpu.memory_space<vmem>>)
    %add3A_282 = arith.constant 13056 : i32
    %add3A_283 = arith.addi %mul3A_2, %add3A_282 : i32
    %dma_start3A_284 = arith.constant 6 : i32
    %dma_start3A_285 = arith.constant 0 : i32
    %dma_start3A_286 = arith.constant 0 : i32
    %dma_start3A_287 = tpu.memref_slice %arg6[%dma_start3A_284, %dma_start3A_285, %dma_start3A_286] : memref<8x128x32xf32, #tpu.memory_space<vmem>> -> memref<1x128x32xf32, #tpu.memory_space<vmem>>
    %dma_start3A_288 = tpu.memref_squeeze %dma_start3A_287 : memref<1x128x32xf32, #tpu.memory_space<vmem>> -> memref<128x32xf32, #tpu.memory_space<vmem>>
    %dma_start3A_289 = arith.constant 0 : i32
    %dma_start3A_290 = tpu.memref_slice %arg4[%add3A_283, %dma_start3A_289] : memref<425984x32xf32, #tpu.memory_space<hbm>> -> memref<128x32xf32, #tpu.memory_space<hbm>>
    %dma_start3A_291 = arith.constant 0 : i32
    %dma_start3A_292 = tpu.memref_slice %arg4[%add3A_283, %dma_start3A_291] : memref<425984x32xf32, #tpu.memory_space<hbm>> -> memref<128x32xf32, #tpu.memory_space<hbm>>
    %dma_start3A_293 = arith.constant 0 : i32
    %dma_start3A_294 = arith.constant 0 : i32
    %dma_start3A_295 = tpu.memref_slice %arg6[%dma_start3A_284, %dma_start3A_293, %dma_start3A_294] : memref<8x128x32xf32, #tpu.memory_space<vmem>> -> memref<1x128x32xf32, #tpu.memory_space<vmem>>
    %dma_start3A_296 = tpu.memref_squeeze %dma_start3A_295 : memref<1x128x32xf32, #tpu.memory_space<vmem>> -> memref<128x32xf32, #tpu.memory_space<vmem>>
    tpu.enqueue_dma source(%dma_start3A_296 : memref<128x32xf32, #tpu.memory_space<vmem>>) target(%dma_start3A_292 : memref<128x32xf32, #tpu.memory_space<hbm>>) target_semaphore(%arg13 : memref<!tpu.dma_semaphore, #tpu.memory_space<semaphore_mem>>)
    %dma_wait3A_297 = arith.constant 103 : i32
    %dma_wait3A_298 = arith.constant 7 : i32
    %dma_wait3A_299 = arith.constant 0 : i32
    %dma_wait3A_300 = arith.constant 0 : i32
    %dma_wait3A_301 = tpu.memref_slice %arg6[%dma_wait3A_298, %dma_wait3A_299, %dma_wait3A_300] : memref<8x128x32xf32, #tpu.memory_space<vmem>> -> memref<1x128x32xf32, #tpu.memory_space<vmem>>
    %dma_wait3A_302 = tpu.memref_squeeze %dma_wait3A_301 : memref<1x128x32xf32, #tpu.memory_space<vmem>> -> memref<128x32xf32, #tpu.memory_space<vmem>>
    %dma_wait3A_303 = arith.constant 0 : i32
    %dma_wait3A_304 = tpu.memref_slice %arg5[%dma_wait3A_297, %dma_wait3A_303] : memref<104x128xi32, #tpu.memory_space<vmem>> -> memref<1x128xi32, #tpu.memory_space<vmem>>
    %dma_wait3A_305 = tpu.memref_squeeze %dma_wait3A_304 : memref<1x128xi32, #tpu.memory_space<vmem>> -> memref<128xi32, #tpu.memory_space<vmem>>
    %dma_wait3A_306 = arith.constant 0 : i32
    %dma_wait3A_307 = arith.constant 0 : i32
    %dma_wait3A_308 = tpu.memref_slice %arg2[%dma_wait3A_306, %dma_wait3A_307] : memref<1015808x32xf32, #tpu.memory_space<hbm>> -> memref<1015808x32xf32, #tpu.memory_space<hbm>>
    tpu.wait_indirect_dma semaphore(%arg14 : memref<!tpu.dma_semaphore, #tpu.memory_space<semaphore_mem>>) src(%dma_wait3A_308 : memref<1015808x32xf32, #tpu.memory_space<hbm>>) dst(%dma_wait3A_302 : memref<128x32xf32, #tpu.memory_space<vmem>>)
    %add3A_309 = arith.constant 13184 : i32
    %add3A_310 = arith.addi %mul3A_2, %add3A_309 : i32
    %dma_start3A_311 = arith.constant 7 : i32
    %dma_start3A_312 = arith.constant 0 : i32
    %dma_start3A_313 = arith.constant 0 : i32
    %dma_start3A_314 = tpu.memref_slice %arg6[%dma_start3A_311, %dma_start3A_312, %dma_start3A_313] : memref<8x128x32xf32, #tpu.memory_space<vmem>> -> memref<1x128x32xf32, #tpu.memory_space<vmem>>
    %dma_start3A_315 = tpu.memref_squeeze %dma_start3A_314 : memref<1x128x32xf32, #tpu.memory_space<vmem>> -> memref<128x32xf32, #tpu.memory_space<vmem>>
    %dma_start3A_316 = arith.constant 0 : i32
    %dma_start3A_317 = tpu.memref_slice %arg4[%add3A_310, %dma_start3A_316] : memref<425984x32xf32, #tpu.memory_space<hbm>> -> memref<128x32xf32, #tpu.memory_space<hbm>>
    %dma_start3A_318 = arith.constant 0 : i32
    %dma_start3A_319 = tpu.memref_slice %arg4[%add3A_310, %dma_start3A_318] : memref<425984x32xf32, #tpu.memory_space<hbm>> -> memref<128x32xf32, #tpu.memory_space<hbm>>
    %dma_start3A_320 = arith.constant 0 : i32
    %dma_start3A_321 = arith.constant 0 : i32
    %dma_start3A_322 = tpu.memref_slice %arg6[%dma_start3A_311, %dma_start3A_320, %dma_start3A_321] : memref<8x128x32xf32, #tpu.memory_space<vmem>> -> memref<1x128x32xf32, #tpu.memory_space<vmem>>
    %dma_start3A_323 = tpu.memref_squeeze %dma_start3A_322 : memref<1x128x32xf32, #tpu.memory_space<vmem>> -> memref<128x32xf32, #tpu.memory_space<vmem>>
    tpu.enqueue_dma source(%dma_start3A_323 : memref<128x32xf32, #tpu.memory_space<vmem>>) target(%dma_start3A_319 : memref<128x32xf32, #tpu.memory_space<hbm>>) target_semaphore(%arg14 : memref<!tpu.dma_semaphore, #tpu.memory_space<semaphore_mem>>)
    %add3A_324 = arith.constant 12288 : i32
    %add3A_325 = arith.addi %mul3A_2, %add3A_324 : i32
    %dma_wait3A_326 = arith.constant 0 : i32
    %dma_wait3A_327 = arith.constant 0 : i32
    %dma_wait3A_328 = arith.constant 0 : i32
    %dma_wait3A_329 = tpu.memref_slice %arg6[%dma_wait3A_326, %dma_wait3A_327, %dma_wait3A_328] : memref<8x128x32xf32, #tpu.memory_space<vmem>> -> memref<1x128x32xf32, #tpu.memory_space<vmem>>
    %dma_wait3A_330 = tpu.memref_squeeze %dma_wait3A_329 : memref<1x128x32xf32, #tpu.memory_space<vmem>> -> memref<128x32xf32, #tpu.memory_space<vmem>>
    %dma_wait3A_331 = arith.constant 0 : i32
    %dma_wait3A_332 = tpu.memref_slice %arg4[%add3A_325, %dma_wait3A_331] : memref<425984x32xf32, #tpu.memory_space<hbm>> -> memref<128x32xf32, #tpu.memory_space<hbm>>
    %dma_wait3A_333 = arith.constant 0 : i32
    %dma_wait3A_334 = tpu.memref_slice %arg4[%add3A_325, %dma_wait3A_333] : memref<425984x32xf32, #tpu.memory_space<hbm>> -> memref<128x32xf32, #tpu.memory_space<hbm>>
    %dma_wait3A_335 = arith.constant 0 : i32
    %dma_wait3A_336 = arith.constant 0 : i32
    %dma_wait3A_337 = tpu.memref_slice %arg6[%dma_wait3A_326, %dma_wait3A_335, %dma_wait3A_336] : memref<8x128x32xf32, #tpu.memory_space<vmem>> -> memref<1x128x32xf32, #tpu.memory_space<vmem>>
    %dma_wait3A_338 = tpu.memref_squeeze %dma_wait3A_337 : memref<1x128x32xf32, #tpu.memory_space<vmem>> -> memref<128x32xf32, #tpu.memory_space<vmem>>
    tpu.wait_dma2 semaphore(%arg7 : memref<!tpu.dma_semaphore, #tpu.memory_space<semaphore_mem>>) src(%dma_wait3A_338 : memref<128x32xf32, #tpu.memory_space<vmem>>) dst(%dma_wait3A_334 : memref<128x32xf32, #tpu.memory_space<hbm>>)
    %add3A_339 = arith.constant 12416 : i32
    %add3A_340 = arith.addi %mul3A_2, %add3A_339 : i32
    %dma_wait3A_341 = arith.constant 1 : i32
    %dma_wait3A_342 = arith.constant 0 : i32
    %dma_wait3A_343 = arith.constant 0 : i32
    %dma_wait3A_344 = tpu.memref_slice %arg6[%dma_wait3A_341, %dma_wait3A_342, %dma_wait3A_343] : memref<8x128x32xf32, #tpu.memory_space<vmem>> -> memref<1x128x32xf32, #tpu.memory_space<vmem>>
    %dma_wait3A_345 = tpu.memref_squeeze %dma_wait3A_344 : memref<1x128x32xf32, #tpu.memory_space<vmem>> -> memref<128x32xf32, #tpu.memory_space<vmem>>
    %dma_wait3A_346 = arith.constant 0 : i32
    %dma_wait3A_347 = tpu.memref_slice %arg4[%add3A_340, %dma_wait3A_346] : memref<425984x32xf32, #tpu.memory_space<hbm>> -> memref<128x32xf32, #tpu.memory_space<hbm>>
    %dma_wait3A_348 = arith.constant 0 : i32
    %dma_wait3A_349 = tpu.memref_slice %arg4[%add3A_340, %dma_wait3A_348] : memref<425984x32xf32, #tpu.memory_space<hbm>> -> memref<128x32xf32, #tpu.memory_space<hbm>>
    %dma_wait3A_350 = arith.constant 0 : i32
    %dma_wait3A_351 = arith.constant 0 : i32
    %dma_wait3A_352 = tpu.memref_slice %arg6[%dma_wait3A_341, %dma_wait3A_350, %dma_wait3A_351] : memref<8x128x32xf32, #tpu.memory_space<vmem>> -> memref<1x128x32xf32, #tpu.memory_space<vmem>>
    %dma_wait3A_353 = tpu.memref_squeeze %dma_wait3A_352 : memref<1x128x32xf32, #tpu.memory_space<vmem>> -> memref<128x32xf32, #tpu.memory_space<vmem>>
    tpu.wait_dma2 semaphore(%arg8 : memref<!tpu.dma_semaphore, #tpu.memory_space<semaphore_mem>>) src(%dma_wait3A_353 : memref<128x32xf32, #tpu.memory_space<vmem>>) dst(%dma_wait3A_349 : memref<128x32xf32, #tpu.memory_space<hbm>>)
    %add3A_354 = arith.constant 12544 : i32
    %add3A_355 = arith.addi %mul3A_2, %add3A_354 : i32
    %dma_wait3A_356 = arith.constant 2 : i32
    %dma_wait3A_357 = arith.constant 0 : i32
    %dma_wait3A_358 = arith.constant 0 : i32
    %dma_wait3A_359 = tpu.memref_slice %arg6[%dma_wait3A_356, %dma_wait3A_357, %dma_wait3A_358] : memref<8x128x32xf32, #tpu.memory_space<vmem>> -> memref<1x128x32xf32, #tpu.memory_space<vmem>>
    %dma_wait3A_360 = tpu.memref_squeeze %dma_wait3A_359 : memref<1x128x32xf32, #tpu.memory_space<vmem>> -> memref<128x32xf32, #tpu.memory_space<vmem>>
    %dma_wait3A_361 = arith.constant 0 : i32
    %dma_wait3A_362 = tpu.memref_slice %arg4[%add3A_355, %dma_wait3A_361] : memref<425984x32xf32, #tpu.memory_space<hbm>> -> memref<128x32xf32, #tpu.memory_space<hbm>>
    %dma_wait3A_363 = arith.constant 0 : i32
    %dma_wait3A_364 = tpu.memref_slice %arg4[%add3A_355, %dma_wait3A_363] : memref<425984x32xf32, #tpu.memory_space<hbm>> -> memref<128x32xf32, #tpu.memory_space<hbm>>
    %dma_wait3A_365 = arith.constant 0 : i32
    %dma_wait3A_366 = arith.constant 0 : i32
    %dma_wait3A_367 = tpu.memref_slice %arg6[%dma_wait3A_356, %dma_wait3A_365, %dma_wait3A_366] : memref<8x128x32xf32, #tpu.memory_space<vmem>> -> memref<1x128x32xf32, #tpu.memory_space<vmem>>
    %dma_wait3A_368 = tpu.memref_squeeze %dma_wait3A_367 : memref<1x128x32xf32, #tpu.memory_space<vmem>> -> memref<128x32xf32, #tpu.memory_space<vmem>>
    tpu.wait_dma2 semaphore(%arg9 : memref<!tpu.dma_semaphore, #tpu.memory_space<semaphore_mem>>) src(%dma_wait3A_368 : memref<128x32xf32, #tpu.memory_space<vmem>>) dst(%dma_wait3A_364 : memref<128x32xf32, #tpu.memory_space<hbm>>)
    %add3A_369 = arith.constant 12672 : i32
    %add3A_370 = arith.addi %mul3A_2, %add3A_369 : i32
    %dma_wait3A_371 = arith.constant 3 : i32
    %dma_wait3A_372 = arith.constant 0 : i32
    %dma_wait3A_373 = arith.constant 0 : i32
    %dma_wait3A_374 = tpu.memref_slice %arg6[%dma_wait3A_371, %dma_wait3A_372, %dma_wait3A_373] : memref<8x128x32xf32, #tpu.memory_space<vmem>> -> memref<1x128x32xf32, #tpu.memory_space<vmem>>
    %dma_wait3A_375 = tpu.memref_squeeze %dma_wait3A_374 : memref<1x128x32xf32, #tpu.memory_space<vmem>> -> memref<128x32xf32, #tpu.memory_space<vmem>>
    %dma_wait3A_376 = arith.constant 0 : i32
    %dma_wait3A_377 = tpu.memref_slice %arg4[%add3A_370, %dma_wait3A_376] : memref<425984x32xf32, #tpu.memory_space<hbm>> -> memref<128x32xf32, #tpu.memory_space<hbm>>
    %dma_wait3A_378 = arith.constant 0 : i32
    %dma_wait3A_379 = tpu.memref_slice %arg4[%add3A_370, %dma_wait3A_378] : memref<425984x32xf32, #tpu.memory_space<hbm>> -> memref<128x32xf32, #tpu.memory_space<hbm>>
    %dma_wait3A_380 = arith.constant 0 : i32
    %dma_wait3A_381 = arith.constant 0 : i32
    %dma_wait3A_382 = tpu.memref_slice %arg6[%dma_wait3A_371, %dma_wait3A_380, %dma_wait3A_381] : memref<8x128x32xf32, #tpu.memory_space<vmem>> -> memref<1x128x32xf32, #tpu.memory_space<vmem>>
    %dma_wait3A_383 = tpu.memref_squeeze %dma_wait3A_382 : memref<1x128x32xf32, #tpu.memory_space<vmem>> -> memref<128x32xf32, #tpu.memory_space<vmem>>
    tpu.wait_dma2 semaphore(%arg10 : memref<!tpu.dma_semaphore, #tpu.memory_space<semaphore_mem>>) src(%dma_wait3A_383 : memref<128x32xf32, #tpu.memory_space<vmem>>) dst(%dma_wait3A_379 : memref<128x32xf32, #tpu.memory_space<hbm>>)
    %add3A_384 = arith.constant 12800 : i32
    %add3A_385 = arith.addi %mul3A_2, %add3A_384 : i32
    %dma_wait3A_386 = arith.constant 4 : i32
    %dma_wait3A_387 = arith.constant 0 : i32
    %dma_wait3A_388 = arith.constant 0 : i32
    %dma_wait3A_389 = tpu.memref_slice %arg6[%dma_wait3A_386, %dma_wait3A_387, %dma_wait3A_388] : memref<8x128x32xf32, #tpu.memory_space<vmem>> -> memref<1x128x32xf32, #tpu.memory_space<vmem>>
    %dma_wait3A_390 = tpu.memref_squeeze %dma_wait3A_389 : memref<1x128x32xf32, #tpu.memory_space<vmem>> -> memref<128x32xf32, #tpu.memory_space<vmem>>
    %dma_wait3A_391 = arith.constant 0 : i32
    %dma_wait3A_392 = tpu.memref_slice %arg4[%add3A_385, %dma_wait3A_391] : memref<425984x32xf32, #tpu.memory_space<hbm>> -> memref<128x32xf32, #tpu.memory_space<hbm>>
    %dma_wait3A_393 = arith.constant 0 : i32
    %dma_wait3A_394 = tpu.memref_slice %arg4[%add3A_385, %dma_wait3A_393] : memref<425984x32xf32, #tpu.memory_space<hbm>> -> memref<128x32xf32, #tpu.memory_space<hbm>>
    %dma_wait3A_395 = arith.constant 0 : i32
    %dma_wait3A_396 = arith.constant 0 : i32
    %dma_wait3A_397 = tpu.memref_slice %arg6[%dma_wait3A_386, %dma_wait3A_395, %dma_wait3A_396] : memref<8x128x32xf32, #tpu.memory_space<vmem>> -> memref<1x128x32xf32, #tpu.memory_space<vmem>>
    %dma_wait3A_398 = tpu.memref_squeeze %dma_wait3A_397 : memref<1x128x32xf32, #tpu.memory_space<vmem>> -> memref<128x32xf32, #tpu.memory_space<vmem>>
    tpu.wait_dma2 semaphore(%arg11 : memref<!tpu.dma_semaphore, #tpu.memory_space<semaphore_mem>>) src(%dma_wait3A_398 : memref<128x32xf32, #tpu.memory_space<vmem>>) dst(%dma_wait3A_394 : memref<128x32xf32, #tpu.memory_space<hbm>>)
    %add3A_399 = arith.constant 12928 : i32
    %add3A_400 = arith.addi %mul3A_2, %add3A_399 : i32
    %dma_wait3A_401 = arith.constant 5 : i32
    %dma_wait3A_402 = arith.constant 0 : i32
    %dma_wait3A_403 = arith.constant 0 : i32
    %dma_wait3A_404 = tpu.memref_slice %arg6[%dma_wait3A_401, %dma_wait3A_402, %dma_wait3A_403] : memref<8x128x32xf32, #tpu.memory_space<vmem>> -> memref<1x128x32xf32, #tpu.memory_space<vmem>>
    %dma_wait3A_405 = tpu.memref_squeeze %dma_wait3A_404 : memref<1x128x32xf32, #tpu.memory_space<vmem>> -> memref<128x32xf32, #tpu.memory_space<vmem>>
    %dma_wait3A_406 = arith.constant 0 : i32
    %dma_wait3A_407 = tpu.memref_slice %arg4[%add3A_400, %dma_wait3A_406] : memref<425984x32xf32, #tpu.memory_space<hbm>> -> memref<128x32xf32, #tpu.memory_space<hbm>>
    %dma_wait3A_408 = arith.constant 0 : i32
    %dma_wait3A_409 = tpu.memref_slice %arg4[%add3A_400, %dma_wait3A_408] : memref<425984x32xf32, #tpu.memory_space<hbm>> -> memref<128x32xf32, #tpu.memory_space<hbm>>
    %dma_wait3A_410 = arith.constant 0 : i32
    %dma_wait3A_411 = arith.constant 0 : i32
    %dma_wait3A_412 = tpu.memref_slice %arg6[%dma_wait3A_401, %dma_wait3A_410, %dma_wait3A_411] : memref<8x128x32xf32, #tpu.memory_space<vmem>> -> memref<1x128x32xf32, #tpu.memory_space<vmem>>
    %dma_wait3A_413 = tpu.memref_squeeze %dma_wait3A_412 : memref<1x128x32xf32, #tpu.memory_space<vmem>> -> memref<128x32xf32, #tpu.memory_space<vmem>>
    tpu.wait_dma2 semaphore(%arg12 : memref<!tpu.dma_semaphore, #tpu.memory_space<semaphore_mem>>) src(%dma_wait3A_413 : memref<128x32xf32, #tpu.memory_space<vmem>>) dst(%dma_wait3A_409 : memref<128x32xf32, #tpu.memory_space<hbm>>)
    %add3A_414 = arith.constant 13056 : i32
    %add3A_415 = arith.addi %mul3A_2, %add3A_414 : i32
    %dma_wait3A_416 = arith.constant 6 : i32
    %dma_wait3A_417 = arith.constant 0 : i32
    %dma_wait3A_418 = arith.constant 0 : i32
    %dma_wait3A_419 = tpu.memref_slice %arg6[%dma_wait3A_416, %dma_wait3A_417, %dma_wait3A_418] : memref<8x128x32xf32, #tpu.memory_space<vmem>> -> memref<1x128x32xf32, #tpu.memory_space<vmem>>
    %dma_wait3A_420 = tpu.memref_squeeze %dma_wait3A_419 : memref<1x128x32xf32, #tpu.memory_space<vmem>> -> memref<128x32xf32, #tpu.memory_space<vmem>>
    %dma_wait3A_421 = arith.constant 0 : i32
    %dma_wait3A_422 = tpu.memref_slice %arg4[%add3A_415, %dma_wait3A_421] : memref<425984x32xf32, #tpu.memory_space<hbm>> -> memref<128x32xf32, #tpu.memory_space<hbm>>
    %dma_wait3A_423 = arith.constant 0 : i32
    %dma_wait3A_424 = tpu.memref_slice %arg4[%add3A_415, %dma_wait3A_423] : memref<425984x32xf32, #tpu.memory_space<hbm>> -> memref<128x32xf32, #tpu.memory_space<hbm>>
    %dma_wait3A_425 = arith.constant 0 : i32
    %dma_wait3A_426 = arith.constant 0 : i32
    %dma_wait3A_427 = tpu.memref_slice %arg6[%dma_wait3A_416, %dma_wait3A_425, %dma_wait3A_426] : memref<8x128x32xf32, #tpu.memory_space<vmem>> -> memref<1x128x32xf32, #tpu.memory_space<vmem>>
    %dma_wait3A_428 = tpu.memref_squeeze %dma_wait3A_427 : memref<1x128x32xf32, #tpu.memory_space<vmem>> -> memref<128x32xf32, #tpu.memory_space<vmem>>
    tpu.wait_dma2 semaphore(%arg13 : memref<!tpu.dma_semaphore, #tpu.memory_space<semaphore_mem>>) src(%dma_wait3A_428 : memref<128x32xf32, #tpu.memory_space<vmem>>) dst(%dma_wait3A_424 : memref<128x32xf32, #tpu.memory_space<hbm>>)
    %add3A_429 = arith.constant 13184 : i32
    %add3A_430 = arith.addi %mul3A_2, %add3A_429 : i32
    %dma_wait3A_431 = arith.constant 7 : i32
    %dma_wait3A_432 = arith.constant 0 : i32
    %dma_wait3A_433 = arith.constant 0 : i32
    %dma_wait3A_434 = tpu.memref_slice %arg6[%dma_wait3A_431, %dma_wait3A_432, %dma_wait3A_433] : memref<8x128x32xf32, #tpu.memory_space<vmem>> -> memref<1x128x32xf32, #tpu.memory_space<vmem>>
    %dma_wait3A_435 = tpu.memref_squeeze %dma_wait3A_434 : memref<1x128x32xf32, #tpu.memory_space<vmem>> -> memref<128x32xf32, #tpu.memory_space<vmem>>
    %dma_wait3A_436 = arith.constant 0 : i32
    %dma_wait3A_437 = tpu.memref_slice %arg4[%add3A_430, %dma_wait3A_436] : memref<425984x32xf32, #tpu.memory_space<hbm>> -> memref<128x32xf32, #tpu.memory_space<hbm>>
    %dma_wait3A_438 = arith.constant 0 : i32
    %dma_wait3A_439 = tpu.memref_slice %arg4[%add3A_430, %dma_wait3A_438] : memref<425984x32xf32, #tpu.memory_space<hbm>> -> memref<128x32xf32, #tpu.memory_space<hbm>>
    %dma_wait3A_440 = arith.constant 0 : i32
    %dma_wait3A_441 = arith.constant 0 : i32
    %dma_wait3A_442 = tpu.memref_slice %arg6[%dma_wait3A_431, %dma_wait3A_440, %dma_wait3A_441] : memref<8x128x32xf32, #tpu.memory_space<vmem>> -> memref<1x128x32xf32, #tpu.memory_space<vmem>>
    %dma_wait3A_443 = tpu.memref_squeeze %dma_wait3A_442 : memref<1x128x32xf32, #tpu.memory_space<vmem>> -> memref<128x32xf32, #tpu.memory_space<vmem>>
    tpu.wait_dma2 semaphore(%arg14 : memref<!tpu.dma_semaphore, #tpu.memory_space<semaphore_mem>>) src(%dma_wait3A_443 : memref<128x32xf32, #tpu.memory_space<vmem>>) dst(%dma_wait3A_439 : memref<128x32xf32, #tpu.memory_space<hbm>>)
    return
  }
}

module attributes {stable_mosaic.version = 14 : i64} {
  func.func @body(%arg0: i32, %arg1: memref<32x32768xf32, #tpu.memory_space<vmem>>, %arg2: memref<8192x128xf32, #tpu.memory_space<vmem>>) attributes {dimension_semantics = [#tpu.dimension_semantics<arbitrary>], iteration_bounds = array<i64: 31>, scalar_prefetch = 0 : i64, scratch_operands = 0 : i64, tpu.core_type = #tpu.core_type<tc>, window_params = [{transform_indices = @transform_0, window_bounds = array<i64: 32, 32768>}, {transform_indices = @transform_1, window_bounds = array<i64: 8192, 128>}]} {
    %get3A = arith.constant 0 : index
    %get3A_0 = arith.constant 0 : index
    %get3A_1 = vector.load %arg1[%get3A, %get3A_0] : memref<32x32768xf32, #tpu.memory_space<vmem>>, vector<32x32768xf32>
    %iota3A = tpu.iota {dimensions = array<i32: 0>} : vector<32x32xi32>
    %iota3A_2 = tpu.iota {dimensions = array<i32: 1>} : vector<32x32xi32>
    %add3A = arith.constant 0 : i32
    %add3A_3 = vector.broadcast %add3A : i32 to vector<32x32xi32>
    %add3A_4 = arith.addi %iota3A, %add3A_3 : vector<32x32xi32>
    %eq3A = arith.cmpi eq, %add3A_4, %iota3A_2 : vector<32x32xi32>
    %convert_element_type3A = arith.extui %eq3A : vector<32x32xi1> to vector<32x32xi32>
    %convert_element_type3A_5 = arith.sitofp %convert_element_type3A : vector<32x32xi32> to vector<32x32xf32>
    %slice3A = vector.extract_strided_slice %get3A_1 {offsets = [0, 0], sizes = [32, 8192], strides = [1, 1]} : vector<32x32768xf32> to vector<32x8192xf32>
    %dot_general3A = arith.constant dense<0.000000e+00> : vector<8192x32xf32>
    %dot_general3A_6 = tpu.matmul %slice3A, %convert_element_type3A_5, %dot_general3A {dimension_numbers = #tpu.dot_dimension_numbers<[0], [0], [1], [1], [0, 1, 1, 1], [], []>, transpose_lhs_hint = false} : vector<32x8192xf32>, vector<32x32xf32>, vector<8192x32xf32> -> vector<8192x32xf32>
    %swap3A = arith.constant 0 : index
    %swap3A_7 = arith.constant 0 : index
    %swap3A_8 = vector.load %arg2[%swap3A, %swap3A_7] : memref<8192x128xf32, #tpu.memory_space<vmem>>, vector<8192x32xf32>
    tpu.vector_store %arg2[%swap3A, %swap3A_7], %dot_general3A_6 {strides = array<i32>} : memref<8192x128xf32, #tpu.memory_space<vmem>>, vector<8192x32xf32>,
    %slice3A_9 = vector.extract_strided_slice %get3A_1 {offsets = [0, 8192], sizes = [32, 8192], strides = [1, 1]} : vector<32x32768xf32> to vector<32x8192xf32>
    %dot_general3A_10 = arith.constant dense<0.000000e+00> : vector<8192x32xf32>
    %dot_general3A_11 = tpu.matmul %slice3A_9, %convert_element_type3A_5, %dot_general3A_10 {dimension_numbers = #tpu.dot_dimension_numbers<[0], [0], [1], [1], [0, 1, 1, 1], [], []>, transpose_lhs_hint = false} : vector<32x8192xf32>, vector<32x32xf32>, vector<8192x32xf32> -> vector<8192x32xf32>
    %swap3A_12 = arith.constant 0 : index
    %swap3A_13 = arith.constant 32 : index
    %swap3A_14 = vector.load %arg2[%swap3A_12, %swap3A_13] : memref<8192x128xf32, #tpu.memory_space<vmem>>, vector<8192x32xf32>
    tpu.vector_store %arg2[%swap3A_12, %swap3A_13], %dot_general3A_11 {strides = array<i32>} : memref<8192x128xf32, #tpu.memory_space<vmem>>, vector<8192x32xf32>,
    %slice3A_15 = vector.extract_strided_slice %get3A_1 {offsets = [0, 16384], sizes = [32, 8192], strides = [1, 1]} : vector<32x32768xf32> to vector<32x8192xf32>
    %dot_general3A_16 = arith.constant dense<0.000000e+00> : vector<8192x32xf32>
    %dot_general3A_17 = tpu.matmul %slice3A_15, %convert_element_type3A_5, %dot_general3A_16 {dimension_numbers = #tpu.dot_dimension_numbers<[0], [0], [1], [1], [0, 1, 1, 1], [], []>, transpose_lhs_hint = false} : vector<32x8192xf32>, vector<32x32xf32>, vector<8192x32xf32> -> vector<8192x32xf32>
    %swap3A_18 = arith.constant 0 : index
    %swap3A_19 = arith.constant 64 : index
    %swap3A_20 = vector.load %arg2[%swap3A_18, %swap3A_19] : memref<8192x128xf32, #tpu.memory_space<vmem>>, vector<8192x32xf32>
    tpu.vector_store %arg2[%swap3A_18, %swap3A_19], %dot_general3A_17 {strides = array<i32>} : memref<8192x128xf32, #tpu.memory_space<vmem>>, vector<8192x32xf32>,
    %slice3A_21 = vector.extract_strided_slice %get3A_1 {offsets = [0, 24576], sizes = [32, 8192], strides = [1, 1]} : vector<32x32768xf32> to vector<32x8192xf32>
    %dot_general3A_22 = arith.constant dense<0.000000e+00> : vector<8192x32xf32>
    %dot_general3A_23 = tpu.matmul %slice3A_21, %convert_element_type3A_5, %dot_general3A_22 {dimension_numbers = #tpu.dot_dimension_numbers<[0], [0], [1], [1], [0, 1, 1, 1], [], []>, transpose_lhs_hint = false} : vector<32x8192xf32>, vector<32x32xf32>, vector<8192x32xf32> -> vector<8192x32xf32>
    %swap3A_24 = arith.constant 0 : index
    %swap3A_25 = arith.constant 96 : index
    %swap3A_26 = vector.load %arg2[%swap3A_24, %swap3A_25] : memref<8192x128xf32, #tpu.memory_space<vmem>>, vector<8192x32xf32>
    tpu.vector_store %arg2[%swap3A_24, %swap3A_25], %dot_general3A_23 {strides = array<i32>} : memref<8192x128xf32, #tpu.memory_space<vmem>>, vector<8192x32xf32>,
    return
  }
  func.func @transform_0(%arg0: i32) -> (i32, i32) {
    %c0_i32 = arith.constant 0 : i32
    %c0_i32_0 = arith.constant 0 : i32
    return %c0_i32, %arg0 : i32, i32
  }
  func.func @transform_1(%arg0: i32) -> (i32, i32) {
    %c0_i32 = arith.constant 0 : i32
    %c0_i32_0 = arith.constant 0 : i32
    return %arg0, %c0_i32 : i32, i32
  }
}

</mosaic_0001>

<sc_bundles>
// kernel: kernel.4.cloned.1.call-start
scs
__scs_entry_jumppad:
0x0: {  	(pc) =	sbr.rel $0x88, $3  }
0x1: {  	(tag) =	ssettag $0x0;
	lr =	simm.s32 $0x1  }
0x2: {  	[smem:$0x3F9F] =	sst lr;
	_ =	strace $0xD0000000  }
0x3: {  	_ = 	snop  }
0x4: {  	_ = 	snop  }
0x5: {  	_ = 	snop  }
0x6: {  	_ = 	snop  }
0x7: {  	_ = 	snop  }
__scs_overlays_trampoline_lowered:
0x8: {  	[smem:$0x3FAE] =	sst s0  }
0x9: {  	[smem:$0x3FAF] =	sst s1  }
0xa: {  	[smem:$0x3FB0] =	sst s2  }
0xb: {  	[smem:$0x3FB1] =	sst s3  }
0xc: {  	[smem:$0x3FB2] =	sst s4  }
0xd: {  	[smem:$0x3FB3] =	sst s5  }
0xe: {  	[smem:$0x3FB4] =	sst s6  }
0xf: {  	[smem:$0x3FB5] =	sst s7  }
0x10: {  	[smem:$0x3FB6] =	sst s8  }
0x11: {  	[smem:$0x3FB7] =	sst s9;
	s0 =	simm.s32 @!p0 $0x0  }
0x12: {  	s1 =	sld [smem:$0x3F9D];
	s0 =	simm.s32 @p0 $0x1  }
0x13: {  	[smem:$0x3FB8] =	sst s0;
	s0 =	simm.s32 @!p1 $0x0  }
0x14: {  	s2 =	sld [smem:$0x3F9C];
	s0 =	simm.s32 @p1 $0x1  }
0x15: {  	[smem:$0x3FB9] =	sst s0;
	s0 =	simm.s32 @!p2 $0x0  }
0x16: {  	s3 =	sld [smem:$0x3FDB];
	s0 =	simm.s32 @p2 $0x1  }
0x17: {  	s4 =	simm.s32 $0x1BF5;
	[smem:$0x3FBB] =	sst s0  }
0x18: {  	s0 =	sld [smem:$0x3F9E];
	_ =	swait.ge [sflag:s4], $0x0  }
0x19: {  	s7 =	sld [smem:$0x3F9F]  }
0x1a: {  	s8 =	sadd.s32 $0xFFFFE003, lr  }
0x1b: {  	s9 =	sadd.s32 $0xFFFFFEF7, lr;
	s5 =	simm.s32 $0xFFFFFFFF;
	p2 =	slt.u32 s8, $0xFFFFF086  }
0x1c: {  	p1 =	slt.u32 s9, $0xF7A;
	s5 =	simm.s32 @!p2 $0x0  }
0x1d: {  	s5 =	simm.s32 @p1 $0x1;
	p0 =	seq.s32 s7, s2  }
0x1e: {  	s7 =	smul.u32 @!p0 $0xF7A, s2;
	p2 =	seq.s32 @!p0 s5, $0x0  }
0x1f: {  	s9 =	smul.u32 $0xF7A, s1;
	s8 =	simm.s32 @!p0 $0x1BF5;
	p2 =	por !p2, p0  }
0x20: {  	[sflag:s8] =	ssyncset.s32 @!p0 $0xFFFFF086;
	s6 =	sadd.s32 @!p0 s3, s7;
	s7 =	simm.s32 @!p0 $0x108  }
0x21: {  	s3 =	sadd.s32 s3, s9;
	s6 =	sadd.s32 @!p0 $0x88, s6;
	s7 =	simm.s32 @p2 $0x1082  }
0x22: {  	[simem:s7], [sflag:s8] =	dma.local @!p0 [hbm:s6], $0xF7A  }
0x23: {  	s9 =	sor.u32 $0xD0000000, s2;
	s6 =	simm.s32 $0x108;
	_ =	swait.ge @!p0 [sflag:s8], $0x0  }
0x24: {  	s3 =	sadd.s32 $0x88, s3;
	s6 =	simm.s32 @!p1 $0x1082;
	[sflag:s4] =	ssyncset.s32 $0xFFFFF086  }
0x25: {  	[simem:s6], [sflag:s4] =	dma.local [hbm:s3], $0xF7A  }
0x26: {  	[smem:$0x3F9F] =	sst s1;
	(tag) =	ssettag s2;
	_ =	strace s9  }
0x27: {  	s1 =	sld [smem:$0x3FAF]  }
0x28: {  	s2 =	sld [smem:$0x3FB0]  }
0x29: {  	s4 =	sld [smem:$0x3FB2]  }
0x2a: {  	p0 =	seq.s32 s5, $0x0;
	s5 =	sld [smem:$0x3FB3]  }
0x2b: {  	s6 =	sld [smem:$0x3FB4]  }
0x2c: {  	s7 =	sld [smem:$0x3FB5]  }
0x2d: {  	s3 =	simm.s32 $0x108;
	s8 =	sld [smem:$0x3FB6]  }
0x2e: {  	s3 =	simm.s32 @!p0 $0x1082;
	s9 =	sld [smem:$0x3FB7]  }
0x2f: {  	lr =	sadd.s32 s0, s3;
	s0 =	sld [smem:$0x3FAE]  }
0x30: {  	s3 =	sld [smem:$0x3FB1]  }
0x31: {  	[smem:$0x3FBA] =	sst s10  }
0x32: {  	s10 =	sld [smem:$0x3FB8];
	_ =	sdelay $0x3  }
0x33: {  	p0 =	seq.s32 s10, $0x1;
	s10 =	sld [smem:$0x3FBA];
	_ =	sdelay $0x3  }
0x34: {  	[smem:$0x3FBA] =	sst s10  }
0x35: {  	s10 =	sld [smem:$0x3FB9];
	_ =	sdelay $0x3  }
0x36: {  	p1 =	seq.s32 s10, $0x1;
	s10 =	sld [smem:$0x3FBA];
	_ =	sdelay $0x3  }
0x37: {  	[smem:$0x3FBA] =	sst s10  }
0x38: {  	s10 =	sld [smem:$0x3FBB]  }
0x39: {  	_ = 	snop;
	(pc) =	sbr.ind lr, $3  }
0x3a: {  	_ = 	snop  }
0x3b: {  	_ = 	snop  }
0x3c: {  	p2 =	seq.s32 s10, $0x1;
	s10 =	sld [smem:$0x3FBA]  }
0x3d: {  	_ =	shalt  }
0x3e: {  	_ =	shalt  }
0x3f: {  	_ =	shalt  }
0x40: {  	_ =	shalt  }
0x41: {  	_ =	shalt  }
0x42: {  	_ =	shalt  }
0x43: {  	_ =	shalt  }
0x44: {  	_ =	shalt  }
0x45: {  	_ =	shalt  }
0x46: {  	_ =	shalt  }
0x47: {  	_ =	shalt  }
0x48: {  	_ =	shalt  }
0x49: {  	_ =	shalt  }
0x4a: {  	_ =	shalt  }
0x4b: {  	_ =	shalt  }
0x4c: {  	_ =	shalt  }
0x4d: {  	_ =	shalt  }
0x4e: {  	_ =	shalt  }
0x4f: {  	_ =	shalt  }
0x50: {  	_ =	shalt  }
0x51: {  	_ =	shalt  }
0x52: {  	_ =	shalt  }
0x53: {  	_ =	shalt  }
0x54: {  	_ =	shalt  }
0x55: {  	_ =	shalt  }
0x56: {  	_ =	shalt  }
0x57: {  	_ =	shalt  }
0x58: {  	_ =	shalt  }
0x59: {  	_ =	shalt  }
0x5a: {  	_ =	shalt  }
0x5b: {  	_ =	shalt  }
0x5c: {  	_ =	shalt  }
0x5d: {  	_ =	shalt  }
0x5e: {  	_ =	shalt  }
0x5f: {  	_ =	shalt  }
0x60: {  	_ =	shalt  }
0x61: {  	_ =	shalt  }
0x62: {  	_ =	shalt  }
0x63: {  	_ =	shalt  }
0x64: {  	_ =	shalt  }
0x65: {  	_ =	shalt  }
0x66: {  	_ =	shalt  }
0x67: {  	_ =	shalt  }
0x68: {  	_ =	shalt  }
0x69: {  	_ =	shalt  }
0x6a: {  	_ =	shalt  }
0x6b: {  	_ =	shalt  }
0x6c: {  	_ =	shalt  }
0x6d: {  	_ =	shalt  }
0x6e: {  	_ =	shalt  }
0x6f: {  	_ =	shalt  }
0x70: {  	_ =	shalt  }
0x71: {  	_ =	shalt  }
0x72: {  	_ =	shalt  }
0x73: {  	_ =	shalt  }
0x74: {  	_ =	shalt  }
0x75: {  	_ =	shalt  }
0x76: {  	_ =	shalt  }
0x77: {  	_ =	shalt  }
0x78: {  	_ =	shalt  }
0x79: {  	_ =	shalt  }
0x7a: {  	_ =	shalt  }
0x7b: {  	_ =	shalt  }
0x7c: {  	_ =	shalt  }
0x7d: {  	_ =	shalt  }
0x7e: {  	_ =	shalt  }
0x7f: {  	_ =	shalt  }
0x80: {  	_ =	shalt  }
0x81: {  	_ =	shalt  }
0x82: {  	_ =	shalt  }
0x83: {  	_ =	shalt  }
0x84: {  	_ =	shalt  }
0x85: {  	_ =	shalt  }
0x86: {  	_ =	shalt  }
0x87: {  	_ =	shalt  }
.Lfunc_end0:
.L_simem_size_0:
called_computation.1_lowered:
.L_overlay_start_0:
0x88: {  	s2 =	sld [smem:$0x3FD9]  }
0x89: {  	s3 =	sld [smem:$0x3FFE];
	_ =	sdelay $0x1  }
0x8a: {  	s1 =	srdreg.scid  }
0x8b: {  	s0 =	sand.u32 $0x1, s1  }
0x8c: {  	s17 =	sshll.u32 s0, $0xA;
	s2 =	sadd.s32 s3, s2  }
0x8d: {  	s2 =	sadd.s32 s2, s17  }
0x8e: {  	[smem:$0x3FC6] =	sst s2  }
0x8f: {  	_ = 	snop  }
0x90: {  	s2 =	sld [smem:$0x3FD0];
	(tm) =	ssettm $0x1  }
0x91: {  	s18 =	sld [smem:$0x3FFB];
	_ =	sdelay $0x3  }
0x92: {  	_ =	strace s18  }
0x93: {  	s3 =	sld [smem:$0x3FFC];
	_ =	sdelay $0x3  }
0x94: {  	_ =	strace s3  }
0x95: {  	s3 =	sld [smem:$0x3FFD];
	_ =	sdelay $0x3  }
0x96: {  	_ =	strace s3  }
0x97: {  	_ =	strace $0x8FFFFFFF  }
0x98: {  	s19 =	sld [smem:$0x3FDB];
	_ =	sdelay $0x1  }
0x99: {  	s4 =	simm.s32 $_scs_section_size  }
0x9a: {  	s5 =	simm.s32 $_size__tile_overlayer_lowered;
	s6 =	simm.s32 $_tile_overlayer_lowered  }
0x9b: {  	s22 =	simm.s32 $0x1BFF;
	s21 =	sshll.u32 s6, $0x1;
	s3 =	sadd.s32 s4, s19  }
0x9c: {  	s7 =	simm.s32 $0x0;
	s20 =	sshll.u32 s5, $0x1;
	s5 =	sadd.s32 s21, s3  }
0x9d: {  	[timem:s7], [sflag:s22] =	dma.local [hbm:s5], s20  }
0x9e: {  	_ =	swait.ge [sflag:s22], s20  }
0x9f: {  	s4 =	ssub.s32 $0x0, s20;
	[sflag:s22] =	ssyncset.done $0x0  }
0xa0: {  	[sflag:s22] =	ssyncadd.s32 s4;
	_ =	sdelay $0x1  }
0xa1: {  	s23 =	simm.s32 $0x1B8B  }
0xa2: {  	_ =	swait.ge [sflag:s23], $0x1  }
0xa3: {  	[sflag:s23] =	ssyncset.done $0x0  }
0xa4: {  	s25 =	simm.s32 $0x1B8E;
	s24 =	sld [smem:$0x3FFE];
	[sflag:s23] =	ssyncadd.s32 $0xFFFFFFFF  }
0xa5: {  	s26 =	simm.s32 $execute0_lowered;
	[smem:$0x3FD2] =	sst s25  }
0xa6: {  	s5 =	sshll.u32 s26, $0x1;
	_ =	strace $0x80000046;
	[dreg:$0x1] =	wrdreg $0xFFFFFFFF  }
0xa7: {  	s28 =	simm.s32 $_size_execute0_lowered;
	s3 =	sadd.s32 s3, s5;
	[dreg:$0x0] =	wrdreg $0x0  }
0xa8: {  	s5 =	sshll.u32 s28, $0x1;
	[dreg:$0x2] =	wrdreg s3  }
0xa9: {  	[dreg:$0x3] =	wrdreg s5  }
0xaa: {  	[dreg:$0x4] =	wrdreg $0xC0  }
0xab: {  	_ =	task [dreg:s7], $0x5FFFF  }
0xac: {  	[dreg:$0x1] =	wrdreg $0xFFFFFFFF  }
0xad: {  	[dreg:$0x0] =	wrdreg $0x60  }
0xae: {  	[dreg:$0x2] =	wrdreg s24  }
0xaf: {  	[dreg:$0x3] =	wrdreg s2  }
0xb0: {  	[dreg:$0x4] =	wrdreg $0x9  }
0xb1: {  	_ =	task.clear_ibuf [dreg:s7], $0x5FFFF;
	_ =	strace $0x90000046  }
0xb2: {  	s29 =	simm.s32 $0x9;
	_ =	strace $0x80000048  }
0xb3: {  	_ =	swait.ge [sflag:s29], $0x1  }
0xb4: {  	[sflag:s29] =	ssyncadd.s32 $0xFFFFFFFF  }
0xb5: {  	_ =	strace $0x90000048  }
0xb6: {  	_ =	sfence  }
0xb7: {  	s30 =	sld [smem:$0x0];
	_ =	sdelay $0x2  }
0xb8: {  	s31 =	sshll.u32 s1, $0xD;
	s1 =	sshrl.u32 s1, $0x2  }
0xb9: {  	s3 =	sand.u32 $0x4000, s31;
	s1 =	sadd.s32 s1, s30  }
0xba: {  	s0 =	sor.u32 s3, s0;
	s1 =	sshll.u32 s1, $0x11  }
0xbb: {  	s0 =	sor.u32 s1, s0  }
0xbc: {  	s0 =	sadd.s32 $0x8F2B, s0  }
0xbd: {  	[sflag:s0] =	ssyncadd.remote.s32 $0x1  }
0xbe: {  	_ =	sfence.sel $0xFFFF  }
0xbf: {  	[dreg:$0x0] =	wrdreg $0xFFFFFFFF;
	(pc) =	sbr.abs _section_cstart, $3  }
0xc0: {  	[dreg:$0x1] =	wrdreg $0xFFFFFFFF  }
0xc1: {  	_ =	task.clear_ibuf [dreg:s7], $0x2FFFF;
	_ =	strace $0x9FFFFFFF  }
0xc2: {  	(tm) =	ssettm $0x7FFFFFFF  }
0xc3: {  	_ =	shalt  }
tec
execute0_lowered:
.L_overlay_start_1:
0x0: {  	(tag) =	ssettag $0x1  }
0x1: {  	s0 =	srdreg.scid  }
0x2: {  	s9 =	stileid.u32;
	s3 =	rddreg [dreg:$0x0]  }
0x3: {  	s4 =	rddreg [dreg:$0x1];
	s2 =	simm.s32 $0x0;
	s14 =	simm.s32 $0x9  }
0x4: {  	s15 =	simm.s32 $0x80;
	s16 =	simm.s32 $0x3400;
	s28 =	simm.s32 $0x9400  }
0x5: {  	s30 =	simm.s32 $0xA400;
	s31 =	simm.s32 $0x1;
	s6 =	smul.u32 $0xD0000, s9  }
0x6: {  	s0 =	sand.u32 $0x1, s0;
	s1 =	sshll.u32 s9, $0x1;
	s9 =	smul.u32 $0x6800, s9  }
0x7: {  	s29 =	simm.s32 $0x0;
	s1 =	sor.u32 s0, s1;
	s7 =	smul.u32 $0x68000, s0  }
0x8: {  	[smem:$0x7FF] =	sst s2;
	s8 =	ssub.s32 $0x2, s0;
	s5 =	smul.u32 $0x3400, s1  }
0x9: {  	_ =	strace $0x80000047;
	s1 =	smul.u32 $0x68000, s1;
	s10 =	sshrl.u32 s8, $0x1  }
0xa: {  	s0 =	smul.u32 $0x3400, s0;
	s13 =	ssub.s32 s8, s10;
	s5 =	sshrl.u32 s5, $0x3  }
0xb: {  	s17 =	sadd.s32 s7, s6;
	s1 =	sshrl.u32 s1, $0x3;
	s5 =	sadd.s32 s5, s3  }
0xc: {  	s0 =	sadd.s32 s0, s9;
	s1 =	sadd.s32 s4, s1;
	s5 =	sadd.s32 $0x800, s5  }
0xd: {  	s0 =	sshll.u32 s0, $0x2;
	s18 =	sadd.s32 $0xC000, s1;
	[dreg:$0xb] =	wrdreg s5  }
0xe: {  	s13 =	smax.u32 s13, $0x1;
	s19 =	sadd.s32 $0xC200, s1;
	[dreg:$0xc] =	wrdreg s18  }
0xf: {  	s0 =	sadd.s32 s0, s4;
	s21 =	sadd.s32 $0xC400, s1;
	[dreg:$0xd] =	wrdreg s19  }
0x10: {  	s3 =	sadd.s32 $0xD800, s3;
	s20 =	sadd.s32 $0xE00, s0;
	[dreg:$0xe] =	wrdreg s21  }
0x11: {  	s22 =	sadd.s32 $0xC00, s0;
	s8 =	sadd.s32 $0xC600, s1;
	[dreg:$0x4] =	wrdreg s20  }
0x12: {  	s23 =	sadd.s32 $0xA00, s0;
	s9 =	sadd.s32 $0xC800, s1;
	[dreg:$0x5] =	wrdreg s22  }
0x13: {  	s24 =	sadd.s32 $0x800, s0;
	s10 =	sadd.s32 $0xCA00, s1;
	[dreg:$0x6] =	wrdreg s23  }
0x14: {  	s25 =	sadd.s32 $0x600, s0;
	s11 =	sadd.s32 $0xCC00, s1;
	[dreg:$0x7] =	wrdreg s24  }
0x15: {  	s26 =	sadd.s32 $0x400, s0;
	s12 =	sadd.s32 $0xCE00, s1;
	[dreg:$0x8] =	wrdreg s25  }
0x16: {  	s0 =	sadd.s32 $0x200, s0;
	s1 =	simm.s32 $0x2;
	[dreg:$0x9] =	wrdreg s26  }
0x17: {  	s5 =	sshrl.u32 s17, $0x3;
	[dreg:$0xa] =	wrdreg s0;
	s17 =	simm.s32 $0x4400  }
0x18: {  	s19 =	simm.s32 $0x5400;
	s21 =	simm.s32 $0x6400;
	s23 =	simm.s32 $0x7400  }
0x19: {  	s25 =	simm.s32 $0x8400;
	s0 =	simm.s32 $0x3;
	s18 =	simm.s32 $0x4  }
0x1a: {  	s20 =	simm.s32 $0x5;
	s22 =	simm.s32 $0x6;
	s5 =	sadd.s32 s5, s4  }
0x1b: {  	s24 =	simm.s32 $0x7;
	s26 =	simm.s32 $0x8;
	[dreg:$0x3] =	wrdreg s5  }
.LBB2_1:
0x1c: {  	s4 =	rddreg [dreg:$0xb]  }
0x1d: {  	[tilespmem:s2], [sflag:$0x9] =	stream.linear.gather [hbm4b:s4+s2], $0x3400, $0x38;
	[tilespmem:$0xB400] =	vst v63  }
0x1e: {  	_ =	swait.ge [sflag:s14], $0x3400  }
0x1f: {  	[sflag:s14] =	ssyncset.done $0x0  }
0x20: {  	s4 =	simm.s32 $0x0;
	[sflag:s14] =	ssyncadd.s32 $0xFFFFCC00  }
0x21: {  	v0 =	vld [tilespmem:s4+$0x0]  }
0x22: {  	v1 =	vld [tilespmem:s4+$0x10]  }
0x23: {  	v5 =	vld [tilespmem:s4+$0x30];
	_ =	sdelay $0x2  }
0x24: {  	v2 =	vshll.u32 v0, $0x2  }
0x25: {  	v3 =	vld [tilespmem:s4+$0x20];
	v4 =	vand.u32 $0xFFFF8000, v0;
	v0 =	vshrl.u32 v0, $0xD;
	v6 =	vand.u32 $0xFFFF8000, v1  }
0x26: {  	v7 =	vshll.u32 v5, $0x2;
	v9 =	vand.u32 $0xFFFF8000, v5;
	v5 =	vshrl.u32 v5, $0xD  }
0x27: {  	v2 =	vand.u32 $0x7FFC, v2;
	v0 =	vand.u32 $0x3, v0;
	v7 =	vand.u32 $0x7FFC, v7  }
0x28: {  	v8 =	vld [tilespmem:s4+$0x40];
	v2 =	vor.u32 v4, v2;
	v4 =	vshll.u32 v1, $0x2;
	v1 =	vshrl.u32 v1, $0xD  }
0x29: {  	v7 =	vor.u32 v9, v7;
	v9 =	vand.u32 $0x3, v5;
	v4 =	vand.u32 $0x7FFC, v4  }
0x2a: {  	v5 =	vld [tilespmem:s4+$0x50];
	v0 =	vor.u32 v0, v2;
	v2 =	vor.u32 v6, v4;
	v6 =	vshll.u32 v3, $0x2  }
0x2b: {  	v4 =	vand.u32 $0xFFFF8000, v3;
	v3 =	vshrl.u32 v3, $0xD;
	v6 =	vand.u32 $0x7FFC, v6  }
0x2c: {  	v1 =	vand.u32 $0x3, v1;
	v3 =	vand.u32 $0x3, v3;
	v6 =	vor.u32 v4, v6  }
0x2d: {  	v4 =	vor.u32 v1, v2;
	v1 =	vor.u32 v9, v7;
	v2 =	vld [tilespmem:s4+$0x60];
	v7 =	vshll.u32 v8, $0x2  }
0x2e: {  	s5 =	simm.s32 $0x200;
	v3 =	vor.u32 v3, v6;
	v6 =	vand.u32 $0xFFFF8000, v8;
	v8 =	vshrl.u32 v8, $0xD  }
.LBB2_2:
0x2f: {  	p0 =	sne.s32 s5, $0xCE00;
	v7 =	vand.u32 $0x7FFC, v7;
	v8 =	vand.u32 $0x3, v8;
	v9 =	vshll.u32 v5, $0x2;
	v10 =	vld [tilespmem:s4+$0x70]  }
0x30: {  	v11 =	vand.u32 $0xFFFF8000, v5;
	v5 =	vshrl.u32 v5, $0xD;
	v9 =	vand.u32 $0x7FFC, v9  }
0x31: {  	s6 =	sshra.s32 s5, $0x2;
	v5 =	vand.u32 $0x3, v5;
	[tilespmem:s4+$0x0] =	vst v0;
	v0 =	vor.u32 v6, v7;
	v6 =	vor.u32 v11, v9  }
0x32: {  	v7 =	vld [tilespmem:s6+$0x0];
	[tilespmem:s4+$0x10] =	vst v4;
	v0 =	vor.u32 v8, v0;
	v4 =	vor.u32 v5, v6;
	v5 =	vshll.u32 v2, $0x2  }
0x33: {  	[tilespmem:s4+$0x20] =	vst v3;
	v3 =	vand.u32 $0xFFFF8000, v2;
	v5 =	vand.u32 $0x7FFC, v5;
	v2 =	vshrl.u32 v2, $0xD  }
0x34: {  	v6 =	vld [tilespmem:s6+$0x10];
	[tilespmem:s4+$0x30] =	vst v1;
	v1 =	vor.u32 v3, v5;
	v2 =	vand.u32 $0x3, v2;
	v3 =	vshll.u32 v10, $0x2  }
0x35: {  	v5 =	vshrl.u32 v10, $0xD;
	[tilespmem:s4+$0x40] =	vst v0;
	v0 =	vand.u32 $0xFFFF8000, v10;
	v3 =	vand.u32 $0x7FFC, v3  }
0x36: {  	v1 =	vor.u32 v2, v1;
	v2 =	vand.u32 $0x3, v5;
	[tilespmem:s4+$0x50] =	vst v4;
	v0 =	vor.u32 v0, v3  }
0x37: {  	v3 =	vshll.u32 v7, $0x2;
	v4 =	vld [tilespmem:s6+$0x20];
	[tilespmem:s4+$0x60] =	vst v1;
	v0 =	vor.u32 v2, v0  }
0x38: {  	v1 =	vand.u32 $0xFFFF8000, v7;
	v2 =	vand.u32 $0x7FFC, v3;
	v3 =	vshrl.u32 v7, $0xD;
	v7 =	vld [tilespmem:s6+$0x30];
	[tilespmem:s4+$0x70] =	vst v0;
	s4 =	smov.u32 s6  }
0x39: {  	v0 =	vor.u32 v1, v2;
	v1 =	vand.u32 $0x3, v3;
	v2 =	vshll.u32 v6, $0x2  }
0x3a: {  	v3 =	vand.u32 $0xFFFF8000, v6;
	v5 =	vshrl.u32 v6, $0xD;
	v2 =	vand.u32 $0x7FFC, v2  }
0x3b: {  	v0 =	vor.u32 v1, v0;
	v1 =	vor.u32 v3, v2;
	v2 =	vand.u32 $0x3, v5  }
0x3c: {  	v3 =	vand.u32 $0xFFFF8000, v4;
	v5 =	vshll.u32 v4, $0x2;
	v4 =	vshrl.u32 v4, $0xD;
	v8 =	vld [tilespmem:s4+$0x40]  }
.Ltmp0:
0x3d: {  	v6 =	vand.u32 $0x7FFC, v5;
	v9 =	vand.u32 $0x3, v4;
	v4 =	vshll.u32 v7, $0x2;
	v5 =	vld [tilespmem:s4+$0x50];
	(pc) =	sbr.rel @p0 .LBB2_2-.Ltmp0, $4  }
0x3e: {  	v10 =	vand.u32 $0xFFFF8000, v7;
	v7 =	vshrl.u32 v7, $0xD;
	v4 =	vand.u32 $0x7FFC, v4  }
0x3f: {  	v3 =	vor.u32 v3, v6;
	v7 =	vand.u32 $0x3, v7;
	v6 =	vor.u32 v10, v4  }
0x40: {  	v4 =	vor.u32 v2, v1;
	v3 =	vor.u32 v9, v3;
	v1 =	vor.u32 v7, v6;
	v2 =	vld [tilespmem:s4+$0x60]  }
0x41: {  	s5 =	sadd.s32 $0x200, s5;
	v6 =	vand.u32 $0xFFFF8000, v8;
	v7 =	vshll.u32 v8, $0x2;
	v8 =	vshrl.u32 v8, $0xD  }
0x42: {  	v7 =	vand.u32 $0x7FFC, v7;
	v8 =	vand.u32 $0x3, v8;
	v9 =	vshll.u32 v5, $0x2;
	v10 =	vld [tilespmem:s4+$0x70]  }
0x43: {  	v11 =	vand.u32 $0xFFFF8000, v5;
	v52 =	vshrl.u32 v5, $0xD;
	v9 =	vand.u32 $0x7FFC, v9  }
0x44: {  	[tilespmem:s4+$0x0] =	vst v0;
	v53 =	vor.u32 v6, v7;
	v5 =	vand.u32 $0x3, v52;
	v54 =	vor.u32 v11, v9  }
0x45: {  	[tilespmem:s4+$0x10] =	vst v4;
	v0 =	vor.u32 v8, v53;
	v55 =	vor.u32 v5, v54;
	v56 =	vshll.u32 v2, $0x2  }
0x46: {  	[tilespmem:s4+$0x20] =	vst v3;
	v57 =	vand.u32 $0xFFFF8000, v2;
	v58 =	vshrl.u32 v2, $0xD;
	v5 =	vand.u32 $0x7FFC, v56  }
0x47: {  	[tilespmem:s4+$0x30] =	vst v1;
	v2 =	vand.u32 $0x3, v58;
	v59 =	vor.u32 v57, v5;
	v60 =	vshll.u32 v10, $0x2  }
0x48: {  	[tilespmem:s4+$0x40] =	vst v0;
	v61 =	vand.u32 $0xFFFF8000, v10;
	v62 =	vshrl.u32 v10, $0xD;
	v3 =	vand.u32 $0x7FFC, v60  }
0x49: {  	[tilespmem:s4+$0x50] =	vst v55;
	v1 =	vor.u32 v2, v59;
	v63 =	vand.u32 $0x3, v62;
	v0 =	vor.u32 v61, v3  }
0x4a: {  	[tilespmem:s4+$0x60] =	vst v1;
	v0 =	vor.u32 v63, v0  }
0x4b: {  	s7 =	simm.s32 $0x0;
	[tilespmem:s4+$0x70] =	vst v0  }
0x4c: {  	[tilespmem:s16], [sflag:$0x1] =	stream.indirect.gather [hbm4b:s3+s15], $0x20, s7, s15, $0xb8;
	[tilespmem:$0xB400] =	vst v63  }
0x4d: {  	_ = 	snop  }
0x4e: {  	[tilespmem:s17], [sflag:$0x2] =	stream.indirect.gather [hbm4b:s3+s15], $0x20, s15, s15, $0xb8;
	[tilespmem:$0xB400] =	vst v63  }
0x4f: {  	s5 =	simm.s32 $0x100  }
0x50: {  	[tilespmem:s19], [sflag:$0x3] =	stream.indirect.gather [hbm4b:s3+s15], $0x20, s5, s15, $0xb8;
	[tilespmem:$0xB400] =	vst v63  }
0x51: {  	s6 =	simm.s32 $0x180  }
0x52: {  	[tilespmem:s21], [sflag:$0x4] =	stream.indirect.gather [hbm4b:s3+s15], $0x20, s6, s15, $0xb8;
	[tilespmem:$0xB400] =	vst v63  }
0x53: {  	s7 =	simm.s32 $0x200  }
0x54: {  	[tilespmem:s23], [sflag:$0x5] =	stream.indirect.gather [hbm4b:s3+s15], $0x20, s7, s15, $0xb8;
	[tilespmem:$0xB400] =	vst v63  }
0x55: {  	s5 =	simm.s32 $0x280  }
0x56: {  	[tilespmem:s25], [sflag:$0x6] =	stream.indirect.gather [hbm4b:s3+s15], $0x20, s5, s15, $0xb8;
	[tilespmem:$0xB400] =	vst v63  }
0x57: {  	s6 =	simm.s32 $0x300  }
0x58: {  	[tilespmem:s28], [sflag:$0x7] =	stream.indirect.gather [hbm4b:s3+s15], $0x20, s6, s15, $0xb8;
	[tilespmem:$0xB400] =	vst v63  }
0x59: {  	s7 =	simm.s32 $0x380  }
0x5a: {  	[tilespmem:s30], [sflag:$0x8] =	stream.indirect.gather [hbm4b:s3+s15], $0x20, s7, s15, $0xb8;
	[tilespmem:$0xB400] =	vst v63  }
0x5b: {  	_ =	swait.ge [sflag:s31], $0x1000  }
0x5c: {  	s5 =	rddreg [dreg:$0x3];
	[sflag:s31] =	ssyncset.done $0x0  }
0x5d: {  	[sflag:s31] =	ssyncadd.s32 $0xFFFFF000;
	s4 =	sadd.s32 $0x0, s5  }
0x5e: {  	[hbm4b:s4+s2] =	stream.linear.scatter [tilespmem:s16], [sflag:$0x1], $0x1000, $0x38;
	[tilespmem:$0xB400] =	vst v63  }
0x5f: {  	_ =	swait.ge [sflag:s31], $0x1000  }
0x60: {  	[sflag:s31] =	ssyncset.done $0x0  }
0x61: {  	s6 =	simm.s32 $0x400;
	[sflag:s31] =	ssyncadd.s32 $0xFFFFF000  }
0x62: {  	[tilespmem:s16], [sflag:$0x1] =	stream.indirect.gather [hbm4b:s3+s15], $0x20, s6, s15, $0xb8;
	[tilespmem:$0xB400] =	vst v63  }
0x63: {  	_ =	swait.ge [sflag:s1], $0x1000  }
0x64: {  	s7 =	rddreg [dreg:$0xa];
	[sflag:s1] =	ssyncset.done $0x0  }
0x65: {  	[sflag:s1] =	ssyncadd.s32 $0xFFFFF000;
	s4 =	sadd.s32 $0x0, s7  }
0x66: {  	[hbm4b:s4+s2] =	stream.linear.scatter [tilespmem:s17], [sflag:$0x2], $0x1000, $0x38;
	[tilespmem:$0xB400] =	vst v63  }
0x67: {  	_ =	swait.ge [sflag:s1], $0x1000  }
0x68: {  	[sflag:s1] =	ssyncset.done $0x0  }
0x69: {  	s5 =	simm.s32 $0x480;
	[sflag:s1] =	ssyncadd.s32 $0xFFFFF000  }
0x6a: {  	[tilespmem:s17], [sflag:$0x2] =	stream.indirect.gather [hbm4b:s3+s15], $0x20, s5, s15, $0xb8;
	[tilespmem:$0xB400] =	vst v63  }
0x6b: {  	_ =	swait.ge [sflag:s0], $0x1000  }
0x6c: {  	s6 =	rddreg [dreg:$0x9];
	[sflag:s0] =	ssyncset.done $0x0  }
0x6d: {  	[sflag:s0] =	ssyncadd.s32 $0xFFFFF000;
	s4 =	sadd.s32 $0x0, s6  }
0x6e: {  	[hbm4b:s4+s2] =	stream.linear.scatter [tilespmem:s19], [sflag:$0x3], $0x1000, $0x38;
	[tilespmem:$0xB400] =	vst v63  }
0x6f: {  	_ =	swait.ge [sflag:s0], $0x1000  }
0x70: {  	[sflag:s0] =	ssyncset.done $0x0  }
0x71: {  	s7 =	simm.s32 $0x500;
	[sflag:s0] =	ssyncadd.s32 $0xFFFFF000  }
0x72: {  	[tilespmem:s19], [sflag:$0x3] =	stream.indirect.gather [hbm4b:s3+s15], $0x20, s7, s15, $0xb8;
	[tilespmem:$0xB400] =	vst v63  }
0x73: {  	_ =	swait.ge [sflag:s18], $0x1000  }
0x74: {  	s5 =	rddreg [dreg:$0x8];
	[sflag:s18] =	ssyncset.done $0x0  }
0x75: {  	[sflag:s18] =	ssyncadd.s32 $0xFFFFF000;
	s4 =	sadd.s32 $0x0, s5  }
0x76: {  	[hbm4b:s4+s2] =	stream.linear.scatter [tilespmem:s21], [sflag:$0x4], $0x1000, $0x38;
	[tilespmem:$0xB400] =	vst v63  }
0x77: {  	_ =	swait.ge [sflag:s18], $0x1000  }
0x78: {  	[sflag:s18] =	ssyncset.done $0x0  }
0x79: {  	s6 =	simm.s32 $0x580;
	[sflag:s18] =	ssyncadd.s32 $0xFFFFF000  }
0x7a: {  	[tilespmem:s21], [sflag:$0x4] =	stream.indirect.gather [hbm4b:s3+s15], $0x20, s6, s15, $0xb8;
	[tilespmem:$0xB400] =	vst v63  }
0x7b: {  	_ =	swait.ge [sflag:s20], $0x1000  }
0x7c: {  	s7 =	rddreg [dreg:$0x7];
	[sflag:s20] =	ssyncset.done $0x0  }
0x7d: {  	[sflag:s20] =	ssyncadd.s32 $0xFFFFF000;
	s4 =	sadd.s32 $0x0, s7  }
0x7e: {  	[hbm4b:s4+s2] =	stream.linear.scatter [tilespmem:s23], [sflag:$0x5], $0x1000, $0x38;
	[tilespmem:$0xB400] =	vst v63  }
0x7f: {  	_ =	swait.ge [sflag:s20], $0x1000  }
0x80: {  	[sflag:s20] =	ssyncset.done $0x0  }
0x81: {  	s5 =	simm.s32 $0x600;
	[sflag:s20] =	ssyncadd.s32 $0xFFFFF000  }
0x82: {  	[tilespmem:s23], [sflag:$0x5] =	stream.indirect.gather [hbm4b:s3+s15], $0x20, s5, s15, $0xb8;
	[tilespmem:$0xB400] =	vst v63  }
0x83: {  	_ =	swait.ge [sflag:s22], $0x1000  }
0x84: {  	s6 =	rddreg [dreg:$0x6];
	[sflag:s22] =	ssyncset.done $0x0  }
0x85: {  	[sflag:s22] =	ssyncadd.s32 $0xFFFFF000;
	s4 =	sadd.s32 $0x0, s6  }
0x86: {  	[hbm4b:s4+s2] =	stream.linear.scatter [tilespmem:s25], [sflag:$0x6], $0x1000, $0x38;
	[tilespmem:$0xB400] =	vst v63  }
0x87: {  	_ =	swait.ge [sflag:s22], $0x1000  }
0x88: {  	[sflag:s22] =	ssyncset.done $0x0  }
0x89: {  	s7 =	simm.s32 $0x680;
	[sflag:s22] =	ssyncadd.s32 $0xFFFFF000  }
0x8a: {  	[tilespmem:s25], [sflag:$0x6] =	stream.indirect.gather [hbm4b:s3+s15], $0x20, s7, s15, $0xb8;
	[tilespmem:$0xB400] =	vst v63  }
0x8b: {  	_ =	swait.ge [sflag:s24], $0x1000  }
0x8c: {  	s5 =	rddreg [dreg:$0x5];
	[sflag:s24] =	ssyncset.done $0x0  }
0x8d: {  	[sflag:s24] =	ssyncadd.s32 $0xFFFFF000;
	s4 =	sadd.s32 $0x0, s5  }
0x8e: {  	[hbm4b:s4+s2] =	stream.linear.scatter [tilespmem:s28], [sflag:$0x7], $0x1000, $0x38;
	[tilespmem:$0xB400] =	vst v63  }
0x8f: {  	_ =	swait.ge [sflag:s24], $0x1000  }
0x90: {  	[sflag:s24] =	ssyncset.done $0x0  }
0x91: {  	s6 =	simm.s32 $0x700;
	[sflag:s24] =	ssyncadd.s32 $0xFFFFF000  }
0x92: {  	[tilespmem:s28], [sflag:$0x7] =	stream.indirect.gather [hbm4b:s3+s15], $0x20, s6, s15, $0xb8;
	[tilespmem:$0xB400] =	vst v63  }
0x93: {  	_ =	swait.ge [sflag:s26], $0x1000  }
0x94: {  	s7 =	rddreg [dreg:$0x4];
	[sflag:s26] =	ssyncset.done $0x0  }
0x95: {  	[sflag:s26] =	ssyncadd.s32 $0xFFFFF000;
	s4 =	sadd.s32 $0x0, s7  }
0x96: {  	[hbm4b:s4+s2] =	stream.linear.scatter [tilespmem:s30], [sflag:$0x8], $0x1000, $0x38;
	[tilespmem:$0xB400] =	vst v63  }
0x97: {  	_ =	swait.ge [sflag:s26], $0x1000  }
0x98: {  	[sflag:s26] =	ssyncset.done $0x0  }
0x99: {  	s5 =	simm.s32 $0x780;
	s4 =	simm.s32 $0x1000;
	[sflag:s26] =	ssyncadd.s32 $0xFFFFF000  }
.LBB2_4:
0x9a: {  	[tilespmem:s30], [sflag:$0x8] =	stream.indirect.gather [hbm4b:s3+s15], $0x20, s5, s15, $0xb8;
	[tilespmem:$0xB400] =	vst v63  }
0x9b: {  	_ =	swait.ge [sflag:s31], $0x1000  }
0x9c: {  	s5 =	smov.u32 s4;
	s6 =	rddreg [dreg:$0x3];
	[sflag:s31] =	ssyncset.done $0x0  }
0x9d: {  	[sflag:s31] =	ssyncadd.s32 $0xFFFFF000;
	s6 =	sadd.s32 s5, s6  }
0x9e: {  	[hbm4b:s6+s2] =	stream.linear.scatter [tilespmem:s16], [sflag:$0x1], $0x1000, $0x38;
	[tilespmem:$0xB400] =	vst v63  }
0x9f: {  	_ =	swait.ge [sflag:s31], $0x1000  }
0xa0: {  	s6 =	sshra.s32 s5, $0x2;
	[sflag:s31] =	ssyncset.done $0x0  }
0xa1: {  	s7 =	sadd.s32 $0x400, s6;
	[sflag:s31] =	ssyncadd.s32 $0xFFFFF000  }
0xa2: {  	[tilespmem:s16], [sflag:$0x1] =	stream.indirect.gather [hbm4b:s3+s15], $0x20, s7, s15, $0xb8;
	[tilespmem:$0xB400] =	vst v63  }
0xa3: {  	_ =	swait.ge [sflag:s1], $0x1000  }
0xa4: {  	s7 =	rddreg [dreg:$0xa];
	[sflag:s1] =	ssyncset.done $0x0  }
0xa5: {  	[sflag:s1] =	ssyncadd.s32 $0xFFFFF000;
	s7 =	sadd.s32 s5, s7  }
0xa6: {  	[hbm4b:s7+s2] =	stream.linear.scatter [tilespmem:s17], [sflag:$0x2], $0x1000, $0x38;
	[tilespmem:$0xB400] =	vst v63  }
0xa7: {  	_ =	swait.ge [sflag:s1], $0x1000  }
0xa8: {  	[sflag:s1] =	ssyncset.done $0x0  }
0xa9: {  	s7 =	sadd.s32 $0x480, s6;
	[sflag:s1] =	ssyncadd.s32 $0xFFFFF000  }
0xaa: {  	[tilespmem:s17], [sflag:$0x2] =	stream.indirect.gather [hbm4b:s3+s15], $0x20, s7, s15, $0xb8;
	[tilespmem:$0xB400] =	vst v63  }
0xab: {  	_ =	swait.ge [sflag:s0], $0x1000  }
0xac: {  	s7 =	rddreg [dreg:$0x9];
	[sflag:s0] =	ssyncset.done $0x0  }
0xad: {  	[sflag:s0] =	ssyncadd.s32 $0xFFFFF000;
	s7 =	sadd.s32 s5, s7  }
0xae: {  	[hbm4b:s7+s2] =	stream.linear.scatter [tilespmem:s19], [sflag:$0x3], $0x1000, $0x38;
	[tilespmem:$0xB400] =	vst v63  }
0xaf: {  	_ =	swait.ge [sflag:s0], $0x1000  }
0xb0: {  	[sflag:s0] =	ssyncset.done $0x0  }
0xb1: {  	s7 =	sadd.s32 $0x500, s6;
	[sflag:s0] =	ssyncadd.s32 $0xFFFFF000  }
0xb2: {  	[tilespmem:s19], [sflag:$0x3] =	stream.indirect.gather [hbm4b:s3+s15], $0x20, s7, s15, $0xb8;
	[tilespmem:$0xB400] =	vst v63  }
0xb3: {  	_ =	swait.ge [sflag:s18], $0x1000  }
0xb4: {  	s7 =	rddreg [dreg:$0x8];
	[sflag:s18] =	ssyncset.done $0x0  }
0xb5: {  	[sflag:s18] =	ssyncadd.s32 $0xFFFFF000;
	s7 =	sadd.s32 s5, s7  }
0xb6: {  	[hbm4b:s7+s2] =	stream.linear.scatter [tilespmem:s21], [sflag:$0x4], $0x1000, $0x38;
	[tilespmem:$0xB400] =	vst v63  }
0xb7: {  	_ =	swait.ge [sflag:s18], $0x1000  }
0xb8: {  	[sflag:s18] =	ssyncset.done $0x0  }
0xb9: {  	s7 =	sadd.s32 $0x580, s6;
	[sflag:s18] =	ssyncadd.s32 $0xFFFFF000  }
0xba: {  	[tilespmem:s21], [sflag:$0x4] =	stream.indirect.gather [hbm4b:s3+s15], $0x20, s7, s15, $0xb8;
	[tilespmem:$0xB400] =	vst v63  }
0xbb: {  	_ =	swait.ge [sflag:s20], $0x1000  }
0xbc: {  	s7 =	rddreg [dreg:$0x7];
	[sflag:s20] =	ssyncset.done $0x0  }
0xbd: {  	[sflag:s20] =	ssyncadd.s32 $0xFFFFF000;
	s7 =	sadd.s32 s5, s7  }
0xbe: {  	[hbm4b:s7+s2] =	stream.linear.scatter [tilespmem:s23], [sflag:$0x5], $0x1000, $0x38;
	[tilespmem:$0xB400] =	vst v63  }
0xbf: {  	_ =	swait.ge [sflag:s20], $0x1000  }
0xc0: {  	[sflag:s20] =	ssyncset.done $0x0  }
0xc1: {  	s7 =	sadd.s32 $0x600, s6;
	[sflag:s20] =	ssyncadd.s32 $0xFFFFF000  }
0xc2: {  	[tilespmem:s23], [sflag:$0x5] =	stream.indirect.gather [hbm4b:s3+s15], $0x20, s7, s15, $0xb8;
	[tilespmem:$0xB400] =	vst v63  }
0xc3: {  	_ =	swait.ge [sflag:s22], $0x1000  }
0xc4: {  	s7 =	rddreg [dreg:$0x6];
	[sflag:s22] =	ssyncset.done $0x0  }
0xc5: {  	[sflag:s22] =	ssyncadd.s32 $0xFFFFF000;
	s7 =	sadd.s32 s5, s7  }
0xc6: {  	[hbm4b:s7+s2] =	stream.linear.scatter [tilespmem:s25], [sflag:$0x6], $0x1000, $0x38;
	[tilespmem:$0xB400] =	vst v63  }
0xc7: {  	_ =	swait.ge [sflag:s22], $0x1000  }
0xc8: {  	[sflag:s22] =	ssyncset.done $0x0  }
0xc9: {  	s7 =	sadd.s32 $0x680, s6;
	[sflag:s22] =	ssyncadd.s32 $0xFFFFF000  }
0xca: {  	[tilespmem:s25], [sflag:$0x6] =	stream.indirect.gather [hbm4b:s3+s15], $0x20, s7, s15, $0xb8;
	[tilespmem:$0xB400] =	vst v63  }
0xcb: {  	_ =	swait.ge [sflag:s24], $0x1000  }
0xcc: {  	s7 =	rddreg [dreg:$0x5];
	[sflag:s24] =	ssyncset.done $0x0  }
0xcd: {  	[sflag:s24] =	ssyncadd.s32 $0xFFFFF000;
	s7 =	sadd.s32 s5, s7  }
0xce: {  	[hbm4b:s7+s2] =	stream.linear.scatter [tilespmem:s28], [sflag:$0x7], $0x1000, $0x38;
	[tilespmem:$0xB400] =	vst v63  }
0xcf: {  	_ =	swait.ge [sflag:s24], $0x1000  }
0xd0: {  	[sflag:s24] =	ssyncset.done $0x0  }
0xd1: {  	s7 =	sadd.s32 $0x700, s6;
	[sflag:s24] =	ssyncadd.s32 $0xFFFFF000  }
0xd2: {  	[tilespmem:s28], [sflag:$0x7] =	stream.indirect.gather [hbm4b:s3+s15], $0x20, s7, s15, $0xb8;
	[tilespmem:$0xB400] =	vst v63  }
0xd3: {  	_ =	swait.ge [sflag:s26], $0x1000  }
0xd4: {  	p0 =	sne.s32 s4, $0xB000;
	s7 =	rddreg [dreg:$0x4];
	[sflag:s26] =	ssyncset.done $0x0  }
.Ltmp1:
0xd5: {  	[sflag:s26] =	ssyncadd.s32 $0xFFFFF000;
	s5 =	sadd.s32 s5, s7;
	(pc) =	sbr.rel @p0 .LBB2_4-.Ltmp1, $4  }
0xd6: {  	[hbm4b:s5+s2] =	stream.linear.scatter [tilespmem:s30], [sflag:$0x8], $0x1000, $0x38;
	[tilespmem:$0xB400] =	vst v63  }
0xd7: {  	_ =	swait.ge [sflag:s26], $0x1000  }
0xd8: {  	[sflag:s26] =	ssyncset.done $0x0  }
0xd9: {  	s4 =	sadd.s32 $0x1000, s4;
	s5 =	sadd.s32 $0x780, s6;
	[sflag:s26] =	ssyncadd.s32 $0xFFFFF000  }
0xda: {  	[tilespmem:s30], [sflag:$0x8] =	stream.indirect.gather [hbm4b:s3+s15], $0x20, s5, s15, $0xb8;
	[tilespmem:$0xB400] =	vst v63  }
0xdb: {  	_ =	swait.ge [sflag:s31], $0x1000  }
0xdc: {  	[sflag:s31] =	ssyncset.done $0x0  }
0xdd: {  	s4 =	rddreg [dreg:$0xc];
	[sflag:s31] =	ssyncadd.s32 $0xFFFFF000  }
0xde: {  	[hbm4b:s4+s2] =	stream.linear.scatter [tilespmem:s16], [sflag:$0x1], $0x1000, $0x38;
	[tilespmem:$0xB400] =	vst v63  }
0xdf: {  	_ =	swait.ge [sflag:s1], $0x1000  }
0xe0: {  	[sflag:s1] =	ssyncset.done $0x0  }
0xe1: {  	s6 =	rddreg [dreg:$0xd];
	[sflag:s1] =	ssyncadd.s32 $0xFFFFF000  }
0xe2: {  	[hbm4b:s6+s2] =	stream.linear.scatter [tilespmem:s17], [sflag:$0x2], $0x1000, $0x38;
	[tilespmem:$0xB400] =	vst v63  }
0xe3: {  	_ =	swait.ge [sflag:s0], $0x1000  }
0xe4: {  	[sflag:s0] =	ssyncset.done $0x0  }
0xe5: {  	s7 =	rddreg [dreg:$0xe];
	[sflag:s0] =	ssyncadd.s32 $0xFFFFF000  }
0xe6: {  	[hbm4b:s7+s2] =	stream.linear.scatter [tilespmem:s19], [sflag:$0x3], $0x1000, $0x38;
	[tilespmem:$0xB400] =	vst v63  }
0xe7: {  	_ =	swait.ge [sflag:s18], $0x1000  }
0xe8: {  	[sflag:s18] =	ssyncset.done $0x0  }
0xe9: {  	[sflag:s18] =	ssyncadd.s32 $0xFFFFF000  }
0xea: {  	[hbm4b:s8+s2] =	stream.linear.scatter [tilespmem:s21], [sflag:$0x4], $0x1000, $0x38;
	[tilespmem:$0xB400] =	vst v63  }
0xeb: {  	_ =	swait.ge [sflag:s20], $0x1000  }
0xec: {  	[sflag:s20] =	ssyncset.done $0x0  }
0xed: {  	[sflag:s20] =	ssyncadd.s32 $0xFFFFF000  }
0xee: {  	[hbm4b:s9+s2] =	stream.linear.scatter [tilespmem:s23], [sflag:$0x5], $0x1000, $0x38;
	[tilespmem:$0xB400] =	vst v63  }
0xef: {  	_ =	swait.ge [sflag:s22], $0x1000  }
0xf0: {  	[sflag:s22] =	ssyncset.done $0x0  }
0xf1: {  	[sflag:s22] =	ssyncadd.s32 $0xFFFFF000  }
0xf2: {  	[hbm4b:s10+s2] =	stream.linear.scatter [tilespmem:s25], [sflag:$0x6], $0x1000, $0x38;
	[tilespmem:$0xB400] =	vst v63  }
0xf3: {  	_ =	swait.ge [sflag:s24], $0x1000  }
0xf4: {  	[sflag:s24] =	ssyncset.done $0x0  }
0xf5: {  	[sflag:s24] =	ssyncadd.s32 $0xFFFFF000  }
0xf6: {  	[hbm4b:s11+s2] =	stream.linear.scatter [tilespmem:s28], [sflag:$0x7], $0x1000, $0x38;
	[tilespmem:$0xB400] =	vst v63  }
0xf7: {  	_ =	swait.ge [sflag:s26], $0x1000  }
0xf8: {  	[sflag:s26] =	ssyncset.done $0x0  }
0xf9: {  	[sflag:s26] =	ssyncadd.s32 $0xFFFFF000  }
0xfa: {  	[hbm4b:s12+s2] =	stream.linear.scatter [tilespmem:s30], [sflag:$0x8], $0x1000, $0x38;
	[tilespmem:$0xB400] =	vst v63  }
0xfb: {  	_ =	swait.ge [sflag:s31], $0x1000  }
0xfc: {  	[sflag:s31] =	ssyncset.done $0x0  }
0xfd: {  	[sflag:s31] =	ssyncadd.s32 $0xFFFFF000  }
0xfe: {  	_ =	swait.ge [sflag:s1], $0x1000  }
0xff: {  	[sflag:s1] =	ssyncset.done $0x0  }
0x100: {  	[sflag:s1] =	ssyncadd.s32 $0xFFFFF000  }
0x101: {  	_ =	swait.ge [sflag:s0], $0x1000  }
0x102: {  	[sflag:s0] =	ssyncset.done $0x0  }
0x103: {  	[sflag:s0] =	ssyncadd.s32 $0xFFFFF000  }
0x104: {  	_ =	swait.ge [sflag:s18], $0x1000  }
0x105: {  	[sflag:s18] =	ssyncset.done $0x0  }
0x106: {  	[sflag:s18] =	ssyncadd.s32 $0xFFFFF000  }
0x107: {  	_ =	swait.ge [sflag:s20], $0x1000  }
0x108: {  	[sflag:s20] =	ssyncset.done $0x0  }
0x109: {  	[sflag:s20] =	ssyncadd.s32 $0xFFFFF000  }
0x10a: {  	_ =	swait.ge [sflag:s22], $0x1000  }
0x10b: {  	[sflag:s22] =	ssyncset.done $0x0  }
0x10c: {  	s29 =	sadd.s32 $0x1, s29;
	[sflag:s22] =	ssyncadd.s32 $0xFFFFF000  }
0x10d: {  	p0 =	sne.s32 s29, s13;
	_ =	swait.ge [sflag:s24], $0x1000  }
.Ltmp2:
0x10e: {  	[sflag:s24] =	ssyncset.done $0x0;
	(pc) =	sbr.rel @p0 .LBB2_1-.Ltmp2, $4  }
0x10f: {  	[sflag:s24] =	ssyncadd.s32 $0xFFFFF000  }
0x110: {  	_ =	swait.ge [sflag:s26], $0x1000  }
0x111: {  	[sflag:s26] =	ssyncset.done $0x0  }
0x112: {  	[sflag:s26] =	ssyncadd.s32 $0xFFFFF000  }
0x113: {  	_ =	sfence.sel $0x180000  }
0x114: {  	[bflag:$0x0] =	sbarrier.arrive $0xFFFF  }
0x115: {  	_ =	strace $0x90000047  }
0x116: {  	s0 =	stileid.u32;
	[bflag:$0x2] =	sbarrier.arrive $0xFFFF  }
0x117: {  	p0 =	sne.s32 s0, $0x0;
	s0 =	rddreg [dreg:$0x2]  }
0x118: {  	s0 =	sadd.s32 @!p0 $0x100000, s0  }
0x119: {  	[sflag:s0] =	ssyncadd.tile.s32 @!p0 $0x1;
	_ =	shalt  }
.Lfunc_end2:
_tile_overlayer_lowered:
.L_overlay_start_2:
0x11a: {  	(tag) =	ssettag $0x2  }
0x11b: {  	s0 =	rddreg [dreg:$0x0];
	s2 =	stileid.u32  }
0x11c: {  	s1 =	rddreg [dreg:$0x1];
	p0 =	sne.s32 s2, $0x0  }
0x11d: {  	s3 =	rddreg [dreg:$0x2];
	[bflag:$0x3] =	sbarrier.arrive $0xFFFF;
	s2 =	simm.s32 @!p0 $0x1C09  }
0x11e: {  	[timem:s3], [sflag:s2] =	dma.local @!p0 [hbm:s0], s1  }
0x11f: {  	s0 =	simm.s32 @!p0 $0x9  }
0x120: {  	_ =	swait.ge @!p0 [sflag:s0], s1  }
0x121: {  	s1 =	ssub.s32 @!p0 $0x0, s1;
	[sflag:s0] =	ssyncset.done @!p0 $0x0  }
0x122: {  	[sflag:s0] =	ssyncadd.s32 @!p0 s1  }
0x123: {  	[bflag:$0x3] =	sbarrier.arrive $0xFFFF  }
0x124: {  	_ =	shalt  }

// kernel: sparse-core-data-format-call.cloned.1.call-start
scs
called_computation_lowered:
.L_overlay_start_0:
0x0: {  	s2 =	sld [smem:$0x3FD9]  }
0x1: {  	s3 =	sld [smem:$0x3FFE];
	_ =	sdelay $0x1  }
0x2: {  	s1 =	srdreg.scid  }
0x3: {  	s0 =	sand.u32 $0x1, s1  }
0x4: {  	s18 =	sshll.u32 s0, $0xA;
	s2 =	sadd.s32 s3, s2  }
0x5: {  	s2 =	sadd.s32 s2, s18  }
0x6: {  	[smem:$0x3FC6] =	sst s2  }
0x7: {  	_ = 	snop  }
0x8: {  	s2 =	sld [smem:$0x3FD0];
	(tm) =	ssettm $0x1  }
0x9: {  	s19 =	sld [smem:$0x3FFB];
	_ =	sdelay $0x3  }
0xa: {  	_ =	strace s19  }
0xb: {  	s3 =	sld [smem:$0x3FFC];
	_ =	sdelay $0x3  }
0xc: {  	_ =	strace s3  }
0xd: {  	s3 =	sld [smem:$0x3FFD];
	_ =	sdelay $0x3  }
0xe: {  	_ =	strace s3  }
0xf: {  	_ =	strace $0x8FFFFFFF  }
0x10: {  	s20 =	sld [smem:$0x3FDB];
	_ =	sdelay $0x1  }
0x11: {  	s4 =	simm.s32 $_scs_section_size  }
0x12: {  	s5 =	simm.s32 $_size__tile_overlayer_lowered;
	s6 =	simm.s32 $_tile_overlayer_lowered  }
0x13: {  	s23 =	simm.s32 $0x1BFF;
	s22 =	sshll.u32 s6, $0x1;
	s3 =	sadd.s32 s4, s20  }
0x14: {  	s7 =	simm.s32 $0x0;
	s21 =	sshll.u32 s5, $0x1;
	s5 =	sadd.s32 s22, s3  }
0x15: {  	[timem:s7], [sflag:s23] =	dma.local [hbm:s5], s21  }
0x16: {  	_ =	swait.ge [sflag:s23], s21  }
0x17: {  	s4 =	ssub.s32 $0x0, s21;
	[sflag:s23] =	ssyncset.done $0x0  }
0x18: {  	[sflag:s23] =	ssyncadd.s32 s4;
	_ =	sdelay $0x1  }
0x19: {  	s24 =	simm.s32 $0x1B8B  }
0x1a: {  	_ =	swait.ge [sflag:s24], $0x1  }
0x1b: {  	[sflag:s24] =	ssyncset.done $0x0  }
0x1c: {  	s26 =	simm.s32 $0x1B8E;
	s25 =	sld [smem:$0x3FFE];
	[sflag:s24] =	ssyncadd.s32 $0xFFFFFFFF  }
0x1d: {  	s27 =	simm.s32 $execute0_lowered;
	[smem:$0x3FD2] =	sst s26  }
0x1e: {  	s5 =	sshll.u32 s27, $0x1;
	_ =	strace $0x80000049;
	[dreg:$0x1] =	wrdreg $0xFFFFFFFF  }
0x1f: {  	s28 =	simm.s32 $_size_execute0_lowered;
	s3 =	sadd.s32 s3, s5;
	[dreg:$0x0] =	wrdreg $0x0  }
0x20: {  	s5 =	sshll.u32 s28, $0x1;
	[dreg:$0x2] =	wrdreg s3  }
0x21: {  	[dreg:$0x3] =	wrdreg s5  }
0x22: {  	[dreg:$0x4] =	wrdreg $0xC0  }
0x23: {  	_ =	task [dreg:s7], $0x5FFFF  }
0x24: {  	[dreg:$0x1] =	wrdreg $0xFFFFFFFF  }
0x25: {  	[dreg:$0x0] =	wrdreg $0x60  }
0x26: {  	[dreg:$0x2] =	wrdreg s25  }
0x27: {  	[dreg:$0x3] =	wrdreg s2  }
0x28: {  	[dreg:$0x4] =	wrdreg $0x9  }
0x29: {  	_ =	task.clear_ibuf [dreg:s7], $0x5FFFF;
	_ =	strace $0x90000049  }
0x2a: {  	s29 =	simm.s32 $0x9;
	_ =	strace $0x8000004B  }
0x2b: {  	_ =	swait.ge [sflag:s29], $0x1  }
0x2c: {  	[sflag:s29] =	ssyncadd.s32 $0xFFFFFFFF  }
0x2d: {  	_ =	strace $0x9000004B  }
0x2e: {  	_ =	sfence  }
0x2f: {  	s30 =	sld [smem:$0x0];
	_ =	sdelay $0x2  }
0x30: {  	s31 =	sshll.u32 s1, $0xD;
	s1 =	sshrl.u32 s1, $0x2  }
0x31: {  	s3 =	sand.u32 $0x4000, s31;
	s1 =	sadd.s32 s1, s30  }
0x32: {  	s0 =	sor.u32 s3, s0;
	s1 =	sshll.u32 s1, $0x11  }
0x33: {  	s0 =	sor.u32 s1, s0  }
0x34: {  	s0 =	sadd.s32 $0x8F2B, s0  }
0x35: {  	[sflag:s0] =	ssyncadd.remote.s32 $0x1  }
0x36: {  	_ =	sfence.sel $0xFFFF  }
0x37: {  	[dreg:$0x0] =	wrdreg $0xFFFFFFFF;
	(pc) =	sbr.abs _section_cstart, $3  }
0x38: {  	[dreg:$0x1] =	wrdreg $0xFFFFFFFF  }
0x39: {  	_ =	task.clear_ibuf [dreg:s7], $0x2FFFF;
	_ =	strace $0x9FFFFFFF  }
0x3a: {  	(tm) =	ssettm $0x7FFFFFFF  }
0x3b: {  	_ =	shalt  }
tec
execute0_lowered:
.L_overlay_start_1:
0x0: {  	(tag) =	ssettag $0x1  }
0x1: {  	s0 =	srdreg.scid  }
0x2: {  	s1 =	sshll.u32 s0, $0x4  }
0x3: {  	s0 =	stileid.u32;
	s1 =	sand.u32 $0x10, s1  }
0x4: {  	s1 =	sor.u32 s0, s1  }
0x5: {  	s6 =	rddreg [dreg:$0x0];
	s4 =	simm.s32 $0x1;
	s2 =	sshll.u32 s1, $0x7  }
0x6: {  	s7 =	simm.s32 $0x2;
	s12 =	simm.s32 $0x0;
	s1 =	ssub.s32 $0x4000, s2  }
0x7: {  	s8 =	simm.s32 $0x20000;
	s13 =	simm.s32 $0x0;
	s3 =	sand.u32 $0xF80, s1  }
0x8: {  	s9 =	simm.s32 $0x0;
	s5 =	sshrl.u32 s1, $0xC;
	p0 =	sne.s32 s3, $0x0  }
.Ltmp0:
0x9: {  	s1 =	rddreg [dreg:$0x2];
	s4 =	simm.s32 @!p0 $0x0;
	(pc) =	sbr.rel .LBB1_1-.Ltmp0, $4  }
0xa: {  	s11 =	simm.s32 $0x0;
	s3 =	rddreg [dreg:$0x1];
	s5 =	sadd.s32 s4, s5  }
0xb: {  	_ =	strace $0x8000004A;
	s4 =	simm.s32 $0x1;
	s5 =	smul.u32 $0x1A, s5  }
0xc: {  	s6 =	sadd.s32 $0x800, s6;
	s10 =	smov.u32 s2;
	[sflag:s4] =	ssyncpa.u1 $0x0  }
0xd: {  	p0 =	por $0x0, $0x0;
	[sflag:s7] =	ssyncpa.u1 $0x0;
	s7 =	sor.u32 $0x1, s5  }
.LBB1_4:
0xe: {  	s16 =	sshll.u32 s13, $0x3;
	s17 =	sand.u32 $0x78, s13  }
0xf: {  	s30 =	sand.u32 $0xF800, s13;
	s12 =	sshll.u32 s12, $0x10;
	s16 =	sand.u32 $0x3C00, s16  }
0x10: {  	s31 =	sand.u32 $0x7, s13;
	s16 =	sor.u32 s17, s16;
	s17 =	sadd.s32 s3, s30  }
0x11: {  	s13 =	sshll.u32 s31, $0x12;
	s16 =	sshrl.u32 s16, $0x3;
	s12 =	sadd.s32 s12, s17  }
0x12: {  	[tilespmem:s15+$0x0 ss:$0x81] =	vst.msk $0xffff, v0;
	s13 =	sor.u32 $0x400, s13;
	s12 =	sadd.s32 s16, s12  }
0x13: {  	[hbm4b:s12+s13] =	stream.strided.scatter [tilespmem:s14], [sflag:$0x2], $0x1000, s8, s13, $0x20;
	[tilespmem:$0x4040] =	vst v63  }
.LBB1_5:
0x14: {  	s14 =	sadd.s32 $0x1, s9  }
0x15: {  	s12 =	sadd.s32 $0x1000, s10;
	s16 =	smov.u32 s10;
	p2 =	sgt.s32 s14, $0x19  }
0x16: {  	s16 =	smov.u32 @p2 s12  }
0x17: {  	s14 =	simm.s32 @p2 $0x0;
	p2 =	sgt.s32 s16, $0x3FFF  }
0x18: {  	s16 =	smov.u32 @p2 s2;
	p2 =	sne.s32 s11, s7  }
.Ltmp1:
0x19: {  	p1 =	slt.u32 s11, $0x2;
	(pc) =	sbr.rel @!p2 .LBB1_6-.Ltmp1, $4  }
0x1a: {  	s15 =	simm.s32 @!p1 $0x2  }
0x1b: {  	s13 =	smov.u32 s10;
	p0 =	por !p0, !p0;
	_ =	swait.ge @!p1 [sflag:s15], $0x1000  }
0x1c: {  	s12 =	smov.u32 s9;
	[sflag:s15] =	ssyncset.done @!p1 $0x0;
	s9 =	smov.u32 s14  }
0x1d: {  	s11 =	sadd.s32 $0x1, s11;
	[sflag:s15] =	ssyncadd.s32 @!p1 $0xFFFFF000;
	s10 =	smov.u32 s16  }
.LBB1_1:
0x1e: {  	p1 =	sge.u32 s11, s5  }
0x1f: {  	s31 =	sadd.s32 $0xFFFFFFFF, s11;
	s14 =	sxor.u32 @!p1 $0xFFFFFFFF, s11  }
0x20: {  	s15 =	sshll.u32 @!p1 s10, $0x9;
	s16 =	sshll.u32 @!p1 s9, $0x4;
	s17 =	simm.s32 @!p1 $0x1000  }
0x21: {  	s14 =	sshll.u32 @!p1 s14, $0xC;
	s16 =	sand.u32 @!p1 $0x1F0, s16;
	s15 =	sadd.s32 @!p1 s6, s15  }
0x22: {  	s14 =	sand.u32 @!p1 $0x1000, s14;
	s15 =	sadd.s32 @!p1 s16, s15;
	s16 =	simm.s32 @!p1 $0x20  }
0x23: {  	[tilespmem:s14], [sflag:$0x1] =	stream.strided.gather @!p1 [hbm4b:s15+s16], $0x1000, s17, s16, $0x38;
	[tilespmem:$0x4040] =	vst v63  }
0x24: {  	p1 =	sge.u32 s31, s5  }
.Ltmp2:
0x25: {  	_ = 	snop;
	(pc) =	sbr.rel @p1 .LBB1_5-.Ltmp2, $1  }
0x26: {  	_ =	sdelay $0x3  }
0x27: {  	s14 =	simm.s32 $0x1  }
0x28: {  	_ =	swait.ge [sflag:s4], $0x1000;
	s14 =	simm.s32 @!p0 $0x0  }
0x29: {  	[sflag:s4] =	ssyncset.done $0x0;
	s15 =	sshll.u32 s14, $0xC  }
0x2a: {  	[sflag:s4] =	ssyncadd.s32 $0xFFFFF000;
	s18 =	sor.u32 $0x10, s15  }
0x2b: {  	s14 =	smul.u32 $0x4080, s14;
	v1 =	vld [tilespmem:s18+$0x0]  }
0x2c: {  	s30 =	sand.u32 $0x1, s11;
	v0 =	vld [tilespmem:s18+$0xFFFFFFF0]  }
0x2d: {  	s15 =	smul.u32 $0x4080, s30;
	s14 =	sshrl.u32 s14, $0x2  }
0x2e: {  	s16 =	sor.u32 $0x2000, s14  }
0x2f: {  	s31 =	sshrl.u32 s15, $0x2;
	s15 =	sadd.s32 $0x0, s16  }
0x30: {  	s17 =	simm.s32 $0x4;
	s18 =	sadd.s32 $0x20, s18;
	s14 =	sor.u32 $0x2000, s31;
	[tilespmem:s15+$0x810 ss:$0x81] =	vst.msk $0xffff, v1  }
.LBB1_3:
0x31: {  	v1 =	vld [tilespmem:s18+$0x0];
	p1 =	sne.s32 s17, $0x1FC;
	[tilespmem:s15+$0x0 ss:$0x81] =	vst.msk $0xffff, v0;
	s15 =	smov.u32 s17;
	s17 =	sadd.s32 $0x4, s17  }
.Ltmp3:
0x32: {  	v0 =	vld [tilespmem:s18+$0xFFFFFFF0];
	(pc) =	sbr.rel @p1 .LBB1_3-.Ltmp3, $4  }
0x33: {  	_ = 	snop  }
0x34: {  	s15 =	sshra.s32 s15, $0x2  }
0x35: {  	s15 =	sadd.s32 s15, s16  }
0x36: {  	s18 =	sadd.s32 $0x20, s18;
	[tilespmem:s15+$0x810 ss:$0x81] =	vst.msk $0xffff, v1  }
.Ltmp4:
0x37: {  	_ = 	snop;
	(pc) =	sbr.rel .LBB1_4-.Ltmp4, $1  }
0x38: {  	_ =	sdelay $0x3  }
.LBB1_6:
0x39: {  	_ =	sfence.sel $0x180000  }
0x3a: {  	s2 =	simm.s32 $0x1;
	[bflag:$0x0] =	sbarrier.arrive $0xFFFF  }
0x3b: {  	s31 =	simm.s32 $0x2;
	[sflag:s2] =	ssyncpa.u1 $0x1  }
0x3c: {  	[sflag:s31] =	ssyncpa.u1 $0x1  }
0x3d: {  	p0 =	sne.s32 s0, $0x0;
	_ =	strace $0x9000004A  }
0x3e: {  	s0 =	sadd.s32 @!p0 $0x100000, s1;
	[bflag:$0x2] =	sbarrier.arrive $0xFFFF  }
0x3f: {  	[sflag:s0] =	ssyncadd.tile.s32 @!p0 $0x1;
	_ =	shalt  }
.Lfunc_end1:
_tile_overlayer_lowered:
.L_overlay_start_2:
0x40: {  	(tag) =	ssettag $0x2  }
0x41: {  	s0 =	rddreg [dreg:$0x0];
	s2 =	stileid.u32  }
0x42: {  	s1 =	rddreg [dreg:$0x1];
	p0 =	sne.s32 s2, $0x0  }
0x43: {  	s3 =	rddreg [dreg:$0x2];
	[bflag:$0x3] =	sbarrier.arrive $0xFFFF;
	s2 =	simm.s32 @!p0 $0x1C01  }
0x44: {  	[timem:s3], [sflag:s2] =	dma.local @!p0 [hbm:s0], s1  }
0x45: {  	s0 =	simm.s32 @!p0 $0x1  }
0x46: {  	_ =	swait.ge @!p0 [sflag:s0], s1  }
0x47: {  	s1 =	ssub.s32 @!p0 $0x0, s1;
	[sflag:s0] =	ssyncset.done @!p0 $0x0  }
0x48: {  	[sflag:s0] =	ssyncadd.s32 @!p0 s1  }
0x49: {  	[bflag:$0x3] =	sbarrier.arrive $0xFFFF  }
0x4a: {  	_ =	shalt  }

</sc_bundles>
